<compile_context>
chip_gen: v7x
topology: tpu7x:2x2x1
jax: 0.10.2.dev20260603
libtpu: 0.0.44.dev20260713+nightly
codegen_flags: <defaults>
</compile_context>

<pallas_src>
import functools

import jax
import jax.numpy as jnp
from jax import lax
from jax.experimental import pallas as pl
from jax.experimental.pallas import tpu as pltpu
from jax.experimental.pallas import tpu_sc as plsc

N_NODES = 30720
E_EDGES = 491520
N_TILES = 16
N_CORES = 2
EC = 128
EPT = E_EDGES // N_TILES
NCH = EPT // EC
IBLK = 48
NBLK = NCH // IBLK
NSLOT = 12
LOOKAHEAD = 6
RPT = N_NODES // N_TILES
FC = 32


def _sc_prop_body(C, u_hbm, src_hbm, dst_hbm, r_hbm,
                  acc, src_idx, dst_idx, rows, zbuf, gsems, ssems):
    cid = lax.axis_index("c")
    sid = lax.axis_index("s")

    def _zb(i, _):
        for j in range(FC // 16):
            zbuf[i, pl.ds(j * 16, 16)] = jnp.zeros((16,), jnp.float32)
        return 0
    lax.fori_loop(0, 128, _zb, 0)

    rowbase = sid * RPT
    for rr in range(C // N_CORES):
        chunk = rr * N_CORES + cid
        uv = u_hbm.at[chunk]
        rv = r_hbm.at[chunk]

        def _zero(m, _):
            pltpu.sync_copy(zbuf, acc.at[pl.ds(rowbase + m * 128, 128)])
            return 0
        lax.fori_loop(0, RPT // 128, _zero, 0)
        plsc.subcore_barrier()

        for blk in range(NBLK):
            pltpu.sync_copy(src_hbm.at[sid, pl.ds(blk * IBLK, IBLK)], src_idx)
            pltpu.sync_copy(dst_hbm.at[sid, pl.ds(blk * IBLK, IBLK)], dst_idx)
            for b in range(LOOKAHEAD):
                pltpu.async_copy(uv.at[src_idx.at[b]], rows.at[b], gsems.at[b])

            def _body(g, _):
                for u in range(NSLOT):
                    j = g * NSLOT + u
                    b = u
                    pltpu.make_async_copy(
                        uv.at[src_idx.at[j]], rows.at[b], gsems.at[b]).wait()
                    pltpu.async_copy(rows.at[b], acc.at[dst_idx.at[j]],
                                     ssems.at[b], add=True)
                    nxt = j + LOOKAHEAD
                    nb = (u + LOOKAHEAD) % NSLOT

                    @pl.when(nxt < IBLK)
                    def _():
                        @pl.when(j >= LOOKAHEAD)
                        def _():
                            pltpu.make_async_copy(
                                rows.at[nb],
                                acc.at[dst_idx.at[j - LOOKAHEAD]],
                                ssems.at[nb]).wait()
                        pltpu.async_copy(uv.at[src_idx.at[nxt]], rows.at[nb],
                                         gsems.at[nb])
                return 0
            lax.fori_loop(0, IBLK // NSLOT, _body, 0)
            for k in range(NSLOT):
                j = IBLK - NSLOT + k
                b = j % NSLOT
                pltpu.make_async_copy(
                    rows.at[b], acc.at[dst_idx.at[j]], ssems.at[b]).wait()
        plsc.subcore_barrier()

        def _out(m, _):
            sl = pl.ds(rowbase + m * 128, 128)
            pltpu.sync_copy(acc.at[sl], rows.at[0])
            pltpu.sync_copy(rows.at[0], rv.at[sl])
            return 0
        lax.fori_loop(0, RPT // 128, _out, 0)
        plsc.subcore_barrier()


@functools.partial(jax.jit, static_argnums=(3,))
def _sc_prop(u3, src3, dst3, C):
    mesh = plsc.VectorSubcoreMesh(core_axis_name="c", subcore_axis_name="s")
    return pl.kernel(
        functools.partial(_sc_prop_body, C),
        out_type=jax.ShapeDtypeStruct((C, N_NODES, FC), jnp.float32),
        mesh=mesh,
        compiler_params=pltpu.CompilerParams(use_tc_tiling_on_sc=False),
        scratch_types=[
            pltpu.VMEM_SHARED((N_NODES, FC), jnp.float32),
            pltpu.VMEM((IBLK, EC), jnp.int32),
            pltpu.VMEM((IBLK, EC), jnp.int32),
            pltpu.VMEM((NSLOT, EC, FC), jnp.float32),
            pltpu.VMEM((128, FC), jnp.float32),
            pltpu.SemaphoreType.DMA((NSLOT,)),
            pltpu.SemaphoreType.DMA((NSLOT,)),
        ],
    )(u3, src3, dst3)


def _R(u, src3, dst3):
    C = u.shape[1] // FC
    u3 = u.reshape(N_NODES, C, FC).transpose(1, 0, 2)
    r3 = _sc_prop(u3, src3, dst3, C)
    return r3.transpose(1, 0, 2).reshape(N_NODES, C * FC)


DEGW = 16
NCH_CORE = NCH // N_CORES
DEG_IBLK = 40
DEG_NSLOT = 8


def _sc_deg_body(src_hbm, deg_hbm, acc, idx, ones, ssems):
    cid = lax.axis_index("c")
    sid = lax.axis_index("s")

    def _ob(i, _):
        ones[i, pl.ds(0, 16)] = jnp.full((16,), 1.0, jnp.float32)
        return 0
    lax.fori_loop(0, EC, _ob, 0)

    rowbase = sid * RPT
    plsc.subcore_barrier()

    for blk in range(NCH_CORE // DEG_IBLK):
        base = cid * NCH_CORE + blk * DEG_IBLK
        pltpu.sync_copy(src_hbm.at[sid, pl.ds(base, DEG_IBLK)], idx)

        def _body(g, _):
            for u in range(DEG_NSLOT):
                j = g * DEG_NSLOT + u
                pltpu.async_copy(ones, acc.at[idx.at[j]], ssems.at[u],
                                 add=True)

                @pl.when(j >= DEG_NSLOT)
                def _():
                    pltpu.make_async_copy(
                        ones, acc.at[idx.at[j - DEG_NSLOT]], ssems.at[u]).wait()
            return 0
        lax.fori_loop(0, DEG_IBLK // DEG_NSLOT, _body, 0)
        for k in range(DEG_NSLOT):
            j = DEG_IBLK - DEG_NSLOT + k
            pltpu.make_async_copy(
                ones, acc.at[idx.at[j]], ssems.at[j % DEG_NSLOT]).wait()
    plsc.subcore_barrier()

    def _out(m, _):
        sl = pl.ds(rowbase + m * 128, 128)
        pltpu.sync_copy(acc.at[sl], ones)
        pltpu.sync_copy(ones, deg_hbm.at[cid].at[sl])
        return 0
    lax.fori_loop(0, RPT // 128, _out, 0)


@jax.jit
def _sc_deg(src3, zeros16):
    mesh = plsc.VectorSubcoreMesh(core_axis_name="c", subcore_axis_name="s")

    def body(src_hbm, z_hbm, deg_hbm, acc, idx, ones, ssems):
        sid = lax.axis_index("s")
        rowbase = sid * RPT
        pltpu.sync_copy(z_hbm.at[pl.ds(rowbase, RPT)],
                        acc.at[pl.ds(rowbase, RPT)])
        _sc_deg_body(src_hbm, deg_hbm, acc, idx, ones, ssems)

    return pl.kernel(
        body,
        out_type=jax.ShapeDtypeStruct((N_CORES, N_NODES, DEGW), jnp.float32),
        mesh=mesh,
        compiler_params=pltpu.CompilerParams(use_tc_tiling_on_sc=False),
        scratch_types=[
            pltpu.VMEM_SHARED((N_NODES, DEGW), jnp.float32),
            pltpu.VMEM((DEG_IBLK, EC), jnp.int32),
            pltpu.VMEM((EC, DEGW), jnp.float32),
            pltpu.SemaphoreType.DMA((DEG_NSLOT,)),
        ],
    )(src3, zeros16)


BN = 512
NBLK_TC = N_NODES // BN


def _row_specs(Fin):
    return [pl.BlockSpec((BN, Fin), lambda i: (i, 0))]


def _start_body(h_ref, w_ref, s_ref, acc_ref, u_ref):
    h = h_ref[...]
    acc_ref[...] = jnp.dot(h, w_ref[...], preferred_element_type=jnp.float32)
    u_ref[...] = h * s_ref[...]


def _tc_start(h, W0, s):
    Fin = h.shape[1]
    return pl.pallas_call(
        _start_body,
        grid=(NBLK_TC,),
        in_specs=[
            pl.BlockSpec((BN, Fin), lambda i: (i, 0)),
            pl.BlockSpec((Fin, 256), lambda i: (0, 0)),
            pl.BlockSpec((BN, 1), lambda i: (i, 0)),
        ],
        out_specs=[
            pl.BlockSpec((BN, 256), lambda i: (i, 0)),
            pl.BlockSpec((BN, Fin), lambda i: (i, 0)),
        ],
        out_shape=[
            jax.ShapeDtypeStruct((N_NODES, 256), jnp.float32),
            jax.ShapeDtypeStruct((N_NODES, Fin), jnp.float32),
        ],
    )(h, W0, s)


def _step1_body(r_ref, s_ref, w_ref, acc_ref, acc_out, t_out, u_out):
    t = -(s_ref[...] * r_ref[...])
    acc_out[...] = acc_ref[...] + jnp.dot(
        t, w_ref[...], preferred_element_type=jnp.float32)
    t_out[...] = t
    u_out[...] = t * s_ref[...]


def _stepk_body(r_ref, tp_ref, s_ref, w_ref, acc_ref, acc_out, t_out, u_out):
    t = -2.0 * (s_ref[...] * r_ref[...]) - tp_ref[...]
    acc_out[...] = acc_ref[...] + jnp.dot(
        t, w_ref[...], preferred_element_type=jnp.float32)
    t_out[...] = t
    u_out[...] = t * s_ref[...]


def _tc_step(r, tprev, s, Wk, acc):
    Fin = r.shape[1]
    row = lambda F: pl.BlockSpec((BN, F), lambda i: (i, 0))
    ins = [r] if tprev is None else [r, tprev]
    in_specs = [row(Fin)] * len(ins) + [
        pl.BlockSpec((BN, 1), lambda i: (i, 0)),
        pl.BlockSpec((Fin, 256), lambda i: (0, 0)),
        row(256),
    ]
    body = _step1_body if tprev is None else _stepk_body
    return pl.pallas_call(
        body,
        grid=(NBLK_TC,),
        in_specs=in_specs,
        out_specs=[row(256), row(Fin), row(Fin)],
        out_shape=[
            jax.ShapeDtypeStruct((N_NODES, 256), jnp.float32),
            jax.ShapeDtypeStruct((N_NODES, Fin), jnp.float32),
            jax.ShapeDtypeStruct((N_NODES, Fin), jnp.float32),
        ],
    )(*ins, s, Wk, acc)


def _final_body(r_ref, tp_ref, s_ref, w_ref, acc_ref, b_ref, g_ref, be_ref,
                h_out):
    t = -2.0 * (s_ref[...] * r_ref[...]) - tp_ref[...]
    o = acc_ref[...] + jnp.dot(
        t, w_ref[...], preferred_element_type=jnp.float32) + b_ref[...]
    o = jnp.where(o >= 0, o, 0.01 * o)
    mu = jnp.mean(o, axis=-1, keepdims=True)
    var = jnp.mean((o - mu) ** 2, axis=-1, keepdims=True)
    h_out[...] = (o - mu) / jnp.sqrt(var + 1e-5) * g_ref[...] + be_ref[...]


def _tc_final(r, tprev, s, Wk, acc, b, g, be):
    Fin = r.shape[1]
    row = lambda F: pl.BlockSpec((BN, F), lambda i: (i, 0))
    vec = pl.BlockSpec((1, 256), lambda i: (0, 0))
    return pl.pallas_call(
        _final_body,
        grid=(NBLK_TC,),
        in_specs=[row(Fin), row(Fin),
                  pl.BlockSpec((BN, 1), lambda i: (i, 0)),
                  pl.BlockSpec((Fin, 256), lambda i: (0, 0)),
                  row(256), vec, vec, vec],
        out_specs=row(256),
        out_shape=jax.ShapeDtypeStruct((N_NODES, 256), jnp.float32),
    )(r, tprev, s, Wk, acc, b.reshape(1, -1), g.reshape(1, -1),
      be.reshape(1, -1))


def _layer(h, W, b, g, be, s, src3, dst3):
    K = W.shape[0]
    acc, u = _tc_start(h, W[0], s)
    r = _R(u, src3, dst3)
    acc, T1, u = _tc_step(r, None, s, W[1], acc)
    tm2, tm1 = h, T1
    for k in range(2, K):
        r = _R(u, src3, dst3)
        if k < K - 1:
            acc, tk, u = _tc_step(r, tm2, s, W[k], acc)
            tm2, tm1 = tm1, tk
        else:
            return _tc_final(r, tm2, s, W[k], acc, b, g, be)


GB = 32
NUM_PAIRS = 90
NUM_NODES_G = 30


def _mlp_body(h_ref, ps_ref, pd_ref, w1a_ref, w1b_ref, b1_ref, w2_ref,
              b2_ref, w3_ref, b3_ref, w4_ref, b4_ref, out_ref,
              p1_s, p2_s, o1_s):
    hb = h_ref[...].reshape(GB * NUM_NODES_G, 256)
    p1_s[...] = jnp.dot(hb, w1a_ref[...],
                        preferred_element_type=jnp.float32).reshape(
        GB, NUM_NODES_G, 256)
    p2_s[...] = jnp.dot(hb, w1b_ref[...],
                        preferred_element_type=jnp.float32).reshape(
        GB, NUM_NODES_G, 256)
    for j in range(NUM_PAIRS):
        rs = ps_ref[j]
        rd = pd_ref[j]
        e1 = p1_s[:, pl.ds(rs, 1), :].reshape(GB, 256)
        e2 = p2_s[:, pl.ds(rd, 1), :].reshape(GB, 256)
        o1_s[j] = e1 + e2
    o = o1_s[...] + b1_ref[...]
    o = jnp.where(o >= 0, o, 0.01 * o)
    o = o.reshape(NUM_PAIRS * GB, 256)
    o = jnp.dot(o, w2_ref[...], preferred_element_type=jnp.float32) + b2_ref[...]
    o = jnp.where(o >= 0, o, 0.01 * o)
    o = jnp.dot(o, w3_ref[...], preferred_element_type=jnp.float32) + b3_ref[...]
    o = jnp.where(o >= 0, o, 0.01 * o)
    o = jnp.dot(o, w4_ref[...], preferred_element_type=jnp.float32) + b4_ref[...]
    out_ref[...] = o.reshape(NUM_PAIRS, GB).T


def _edge_mlp(h3, pair_src, pair_dst, fc1_W, fc1_b, fc2_W, fc2_b,
              fc3_W, fc3_b, fc4_W, fc4_b):
    B = h3.shape[0]
    grid = (B // GB,)
    full = lambda *sh: pl.BlockSpec(sh, lambda i: (0,) * len(sh))
    out2d = pl.pallas_call(
        _mlp_body,
        grid=grid,
        in_specs=[
            pl.BlockSpec((GB, NUM_NODES_G, 256), lambda i: (i, 0, 0)),
            pl.BlockSpec(memory_space=pltpu.SMEM),
            pl.BlockSpec(memory_space=pltpu.SMEM),
            full(256, 256), full(256, 256), full(1, 256),
            full(256, 128), full(1, 128),
            full(128, 128), full(1, 128),
            full(128, 1), full(1, 1),
        ],
        out_specs=pl.BlockSpec((GB, NUM_PAIRS), lambda i: (i, 0)),
        out_shape=jax.ShapeDtypeStruct((B, NUM_PAIRS), jnp.float32),
        scratch_shapes=[
            pltpu.VMEM((GB, NUM_NODES_G, 256), jnp.float32),
            pltpu.VMEM((GB, NUM_NODES_G, 256), jnp.float32),
            pltpu.VMEM((NUM_PAIRS, GB, 256), jnp.float32),
        ],
    )(h3, pair_src, pair_dst, fc1_W[:256], fc1_W[256:],
      fc1_b.reshape(1, -1), fc2_W, fc2_b.reshape(1, -1),
      fc3_W, fc3_b.reshape(1, -1), fc4_W, fc4_b.reshape(1, -1))
    return out2d.reshape(-1)


def kernel(x, edge_index, pair_src, pair_dst, W1, b1, g1, be1, W2, b2, g2, be2,
           W3, b3, g3, be3, fc1_W, fc1_b, fc2_W, fc2_b, fc3_W, fc3_b, fc4_W, fc4_b):
    src = edge_index[0]
    dst = edge_index[1]
    src3 = src.reshape(N_TILES, NCH, EC)
    dst3 = dst.reshape(N_TILES, NCH, EC)

    zeros16 = jnp.zeros((N_NODES, DEGW), jnp.float32)
    deg_parts = _sc_deg(src3, zeros16)
    deg = deg_parts[0, :, 0] + deg_parts[1, :, 0]
    dinv = jnp.where(deg > 0, 1.0 / jnp.sqrt(jnp.maximum(deg, 1e-12)), 0.0)
    s = dinv[:, None]

    h = _layer(x, W1, b1, g1, be1, s, src3, dst3)
    h = _layer(h, W2, b2, g2, be2, s, src3, dst3)
    h = _layer(h, W3, b3, g3, be3, s, src3, dst3)

    h3 = h.reshape(-1, NUM_NODES_G, 256)
    return _edge_mlp(h3, pair_src, pair_dst, fc1_W, fc1_b, fc2_W, fc2_b,
                     fc3_W, fc3_b, fc4_W, fc4_b)

# --- scband reference (transcript-rebuilt; emitter-appended) ---
"""Pipeline reference for scband-gcncase30-80814104641735 (READ-ONLY COPY).

The authoritative reference and input builder live on the scoring server;
editing this copy changes nothing except your own understanding.
"""

import jax, jax.numpy as jnp
import numpy as np


def setup_inputs(seed: int = 0):
    key = jax.random.key(seed)
    B = 1024
    num_nodes = 30
    N = B * num_nodes
    E = 491520
    in_f = 128
    ks = jax.random.split(key, 16)
    x = jax.random.normal(ks[0], (N, in_f), dtype=jnp.float32)
    edge_index = jax.random.randint(ks[1], (2, E), 0, N, dtype=jnp.int32)
    base = np.arange(30)
    pair_src = jnp.asarray(np.concatenate([base, base, base]).astype(np.int32))
    pair_dst = jnp.asarray(np.concatenate([(base + 1) % 30, (base + 5) % 30, (base + 11) % 30]).astype(np.int32))
    s = 0.05
    W1 = jax.random.normal(ks[2], (3, 128, 256), dtype=jnp.float32) * s
    b1 = jax.random.normal(ks[3], (256,), dtype=jnp.float32) * s
    g1 = jnp.ones((256,), jnp.float32); be1 = jnp.zeros((256,), jnp.float32)
    W2 = jax.random.normal(ks[4], (4, 256, 256), dtype=jnp.float32) * s
    b2 = jax.random.normal(ks[5], (256,), dtype=jnp.float32) * s
    g2 = jnp.ones((256,), jnp.float32); be2 = jnp.zeros((256,), jnp.float32)
    W3 = jax.random.normal(ks[6], (5, 256, 256), dtype=jnp.float32) * s
    b3 = jax.random.normal(ks[7], (256,), dtype=jnp.float32) * s
    g3 = jnp.ones((256,), jnp.float32); be3 = jnp.zeros((256,), jnp.float32)
    fc1_W = jax.random.normal(ks[8], (512, 256), dtype=jnp.float32) * s
    fc1_b = jax.random.normal(ks[9], (256,), dtype=jnp.float32) * s
    fc2_W = jax.random.normal(ks[10], (256, 128), dtype=jnp.float32) * s
    fc2_b = jax.random.normal(ks[11], (128,), dtype=jnp.float32) * s
    fc3_W = jax.random.normal(ks[12], (128, 128), dtype=jnp.float32) * s
    fc3_b = jax.random.normal(ks[13], (128,), dtype=jnp.float32) * s
    fc4_W = jax.random.normal(ks[14], (128, 1), dtype=jnp.float32) * s
    fc4_b = jax.random.normal(ks[15], (1,), dtype=jnp.float32) * s
    return {"x": x, "edge_index": edge_index, "pair_src": pair_src, "pair_dst": pair_dst,
            "W1": W1, "b1": b1, "g1": g1, "be1": be1,
            "W2": W2, "b2": b2, "g2": g2, "be2": be2,
            "W3": W3, "b3": b3, "g3": g3, "be3": be3,
            "fc1_W": fc1_W, "fc1_b": fc1_b, "fc2_W": fc2_W, "fc2_b": fc2_b,
            "fc3_W": fc3_W, "fc3_b": fc3_b, "fc4_W": fc4_W, "fc4_b": fc4_b}


def reference(x, edge_index, pair_src, pair_dst,
              W1, b1, g1, be1, W2, b2, g2, be2, W3, b3, g3, be3,
              fc1_W, fc1_b, fc2_W, fc2_b, fc3_W, fc3_b, fc4_W, fc4_b):
    N = x.shape[0]
    num_nodes = 30
    src = edge_index[0]
    dst = edge_index[1]
    deg = jnp.zeros((N,), x.dtype).at[src].add(1.0)
    dinv = jnp.where(deg > 0, 1.0 / jnp.sqrt(jnp.maximum(deg, 1e-12)), 0.0)
    w = -dinv[src] * dinv[dst]  # scaled Laplacian L~ = L - I (lambda_max=2, sym norm)

    def prop(h):
        return jnp.zeros_like(h).at[dst].add(w[:, None] * h[src])

    def cheb(h, W, b):
        K = W.shape[0]
        Tx0 = h
        out = Tx0 @ W[0]
        Tx1 = prop(h)
        out = out + Tx1 @ W[1]
        for k in range(2, K):
            Tx2 = 2.0 * prop(Tx1) - Tx0
            out = out + Tx2 @ W[k]
            Tx0, Tx1 = Tx1, Tx2
        return out + b

    def lrelu(h):
        return jnp.where(h >= 0, h, 0.01 * h)

    def ln(h, g, b):
        mu = h.mean(-1, keepdims=True)
        var = h.var(-1, keepdims=True)
        return (h - mu) / jnp.sqrt(var + 1e-5) * g + b

    h = ln(lrelu(cheb(x, W1, b1)), g1, be1)
    h = ln(lrelu(cheb(h, W2, b2)), g2, be2)
    h = ln(lrelu(cheb(h, W3, b3)), g3, be3)
    B = N // num_nodes
    h = h.reshape(B, num_nodes, -1)
    # v_h is identity (all 30 nodes), so h_vh == h; gather edge endpoint features
    ef = jnp.concatenate([h[:, pair_src, :], h[:, pair_dst, :]], axis=-1)
    ef = ef.reshape(-1, ef.shape[-1])
    o = lrelu(ef @ fc1_W + fc1_b)
    o = lrelu(o @ fc2_W + fc2_b)
    o = lrelu(o @ fc3_W + fc3_b)
    o = o @ fc4_W + fc4_b
    return o.reshape(-1)

if __name__ == "__main__":
    import jax
    _d = setup_inputs()
    print(jax.jit(kernel)(*tuple(_d.values())))

</pallas_src>

<mosaic_0001>
#map = affine_map<(d0, d1) -> (0, 0, 0)>
#map1 = affine_map<(d0, d1) -> (0, 0)>
module attributes {stable_mosaic.version = 14 : i64} {
  func.func @body(%arg0: i32, %arg1: i32, %arg2: memref<16x240x128xi32, #tpu.memory_space<hbm>>, %arg3: memref<30720x16xf32, #tpu.memory_space<hbm>>, %arg4: memref<2x30720x16xf32, #tpu.memory_space<hbm>>, %arg5: memref<30720x16xf32, #tpu.memory_space<vmem_shared>>, %arg6: memref<40x128xi32, #tpu.memory_space<vmem>>, %arg7: memref<128x16xf32, #tpu.memory_space<vmem>>, %arg8: memref<8x!tpu.dma_semaphore, #tpu.memory_space<semaphore_mem>>) attributes {dimension_semantics = [#tpu.dimension_semantics<core_parallel>, #tpu.dimension_semantics<subcore_parallel>], iteration_bounds = array<i64: 2, 16>, scalar_prefetch = 0 : i64, scratch_operands = 4 : i64, tpu.core_type = #tpu.core_type<sc_vector_subcore>, window_params = [{transform_indices = #map}, {transform_indices = #map1}, {transform_indices = #map}]} {
    %mul3A = arith.constant 1920 : i32
    %mul3A_0 = arith.muli %arg1, %mul3A : i32
    "tpu.region"() ({
      %run_scoped3A = tpu.sem_alloc : memref<!tpu.dma_semaphore, #tpu.memory_space<semaphore_mem>>
      %dma_start3A = arith.constant 0 : i32
      %dma_start3A_288 = tpu.memref_slice %arg5[%mul3A_0, %dma_start3A] : memref<30720x16xf32, #tpu.memory_space<vmem_shared>> -> memref<1920x16xf32, #tpu.memory_space<vmem_shared>>
      %dma_start3A_289 = arith.constant 0 : i32
      %dma_start3A_290 = tpu.memref_slice %arg3[%mul3A_0, %dma_start3A_289] : memref<30720x16xf32, #tpu.memory_space<hbm>> -> memref<1920x16xf32, #tpu.memory_space<hbm>>
      tpu.enqueue_dma source(%dma_start3A_290 : memref<1920x16xf32, #tpu.memory_space<hbm>>) target(%dma_start3A_288 : memref<1920x16xf32, #tpu.memory_space<vmem_shared>>) target_semaphore(%run_scoped3A : memref<!tpu.dma_semaphore, #tpu.memory_space<semaphore_mem>>)
      %dma_wait3A_291 = arith.constant 0 : i32
      %dma_wait3A_292 = tpu.memref_slice %arg5[%mul3A_0, %dma_wait3A_291] : memref<30720x16xf32, #tpu.memory_space<vmem_shared>> -> memref<1920x16xf32, #tpu.memory_space<vmem_shared>>
      %dma_wait3A_293 = arith.constant 0 : i32
      %dma_wait3A_294 = tpu.memref_slice %arg3[%mul3A_0, %dma_wait3A_293] : memref<30720x16xf32, #tpu.memory_space<hbm>> -> memref<1920x16xf32, #tpu.memory_space<hbm>>
      tpu.wait_dma2 semaphore(%run_scoped3A : memref<!tpu.dma_semaphore, #tpu.memory_space<semaphore_mem>>) src(%dma_wait3A_294 : memref<1920x16xf32, #tpu.memory_space<hbm>>) dst(%dma_wait3A_292 : memref<1920x16xf32, #tpu.memory_space<vmem_shared>>)
      tpu.yield
    }) : () -> ()
    %scan3A = arith.constant 0 : i32
    %scan3A_1 = arith.constant 0 : i32
    %scan3A_2 = arith.constant 128 : i32
    %scan3A_3 = arith.addi %scan3A_1, %scan3A_2 : i32
    %scan3A_4 = arith.constant 1 : i32
    %scan3A_5 = scf.for %scan3A_288 = %scan3A_1 to %scan3A_3 step %scan3A_4 iter_args(%scan3A_289 = %scan3A) -> (i32)  : i32 {
      %broadcast_in_dim3A = arith.constant 1.000000e+00 : f32
      %broadcast_in_dim3A_290 = vector.broadcast %broadcast_in_dim3A : f32 to vector<16xf32>
      %swap3A = arith.index_cast %scan3A_288 : i32 to index
      %swap3A_291 = arith.constant 0 : index
      %swap3A_292 = tpu.vector_load %arg7[%swap3A, %swap3A_291] {strides = array<i32>} : memref<128x16xf32, #tpu.memory_space<vmem>>, vector<1x16xf32>,
      %swap3A_293 = vector.shape_cast %swap3A_292 : vector<1x16xf32> to vector<16xf32>
      %swap3A_294 = vector.shape_cast %broadcast_in_dim3A_290 : vector<16xf32> to vector<1x16xf32>
      tpu.vector_store %arg7[%swap3A, %swap3A_291], %swap3A_294 {strides = array<i32>} : memref<128x16xf32, #tpu.memory_space<vmem>>, vector<1x16xf32>,
      %scan3A_295 = arith.constant 0 : i32
      scf.yield %scan3A_295 : i32
    }
    %scan3A_6 = arith.constant 128 : i32
    %mul3A_7 = arith.constant 1920 : i32
    %mul3A_8 = arith.muli %arg1, %mul3A_7 : i32
    %barrier3A = arith.constant 0 : index
    tpu.barrier barrier_id(%barrier3A)
    %mul3A_9 = arith.constant 120 : i32
    %mul3A_10 = arith.muli %arg0, %mul3A_9 : i32
    %add3A = arith.constant 0 : i32
    %add3A_11 = arith.addi %mul3A_10, %add3A : i32
    "tpu.region"() ({
      %run_scoped3A = tpu.sem_alloc : memref<!tpu.dma_semaphore, #tpu.memory_space<semaphore_mem>>
      %dma_start3A = arith.constant 0 : i32
      %dma_start3A_288 = tpu.memref_slice %arg2[%arg1, %add3A_11, %dma_start3A] : memref<16x240x128xi32, #tpu.memory_space<hbm>> -> memref<1x40x128xi32, #tpu.memory_space<hbm>>
      %dma_start3A_289 = tpu.memref_squeeze %dma_start3A_288 : memref<1x40x128xi32, #tpu.memory_space<hbm>> -> memref<40x128xi32, #tpu.memory_space<hbm>>
      %dma_start3A_290 = arith.constant 0 : i32
      %dma_start3A_291 = tpu.memref_slice %arg2[%arg1, %add3A_11, %dma_start3A_290] : memref<16x240x128xi32, #tpu.memory_space<hbm>> -> memref<1x40x128xi32, #tpu.memory_space<hbm>>
      %dma_start3A_292 = tpu.memref_squeeze %dma_start3A_291 : memref<1x40x128xi32, #tpu.memory_space<hbm>> -> memref<40x128xi32, #tpu.memory_space<hbm>>
      tpu.enqueue_dma source(%dma_start3A_292 : memref<40x128xi32, #tpu.memory_space<hbm>>) target(%arg6 : memref<40x128xi32, #tpu.memory_space<vmem>>) target_semaphore(%run_scoped3A : memref<!tpu.dma_semaphore, #tpu.memory_space<semaphore_mem>>)
      %dma_wait3A_293 = arith.constant 0 : i32
      %dma_wait3A_294 = tpu.memref_slice %arg2[%arg1, %add3A_11, %dma_wait3A_293] : memref<16x240x128xi32, #tpu.memory_space<hbm>> -> memref<1x40x128xi32, #tpu.memory_space<hbm>>
      %dma_wait3A_295 = tpu.memref_squeeze %dma_wait3A_294 : memref<1x40x128xi32, #tpu.memory_space<hbm>> -> memref<40x128xi32, #tpu.memory_space<hbm>>
      %dma_wait3A_296 = arith.constant 0 : i32
      %dma_wait3A_297 = tpu.memref_slice %arg2[%arg1, %add3A_11, %dma_wait3A_296] : memref<16x240x128xi32, #tpu.memory_space<hbm>> -> memref<1x40x128xi32, #tpu.memory_space<hbm>>
      %dma_wait3A_298 = tpu.memref_squeeze %dma_wait3A_297 : memref<1x40x128xi32, #tpu.memory_space<hbm>> -> memref<40x128xi32, #tpu.memory_space<hbm>>
      tpu.wait_dma2 semaphore(%run_scoped3A : memref<!tpu.dma_semaphore, #tpu.memory_space<semaphore_mem>>) src(%dma_wait3A_298 : memref<40x128xi32, #tpu.memory_space<hbm>>) dst(%arg6 : memref<40x128xi32, #tpu.memory_space<vmem>>)
      tpu.yield
    }) : () -> ()
    %scan3A_12 = arith.constant 0 : i32
    %scan3A_13 = arith.constant 0 : i32
    %scan3A_14 = arith.constant 5 : i32
    %scan3A_15 = arith.addi %scan3A_13, %scan3A_14 : i32
    %scan3A_16 = arith.constant 1 : i32
    %scan3A_17 = scf.for %scan3A_288 = %scan3A_13 to %scan3A_15 step %scan3A_16 iter_args(%scan3A_289 = %scan3A_12) -> (i32)  : i32 {
      %mul3A_290 = arith.constant 8 : i32
      %mul3A_291 = arith.muli %scan3A_288, %mul3A_290 : i32
      %add3A_292 = arith.constant 0 : i32
      %add3A_293 = arith.addi %mul3A_291, %add3A_292 : i32
      %dma_start3A = arith.constant 0 : i32
      %dma_start3A_294 = arith.constant 0 : i32
      %dma_start3A_295 = tpu.memref_slice %arg6[%add3A_293, %dma_start3A_294] : memref<40x128xi32, #tpu.memory_space<vmem>> -> memref<1x128xi32, #tpu.memory_space<vmem>>
      %dma_start3A_296 = tpu.memref_squeeze %dma_start3A_295 : memref<1x128xi32, #tpu.memory_space<vmem>> -> memref<128xi32, #tpu.memory_space<vmem>>
      %dma_start3A_297 = arith.constant 0 : i32
      %dma_start3A_298 = arith.constant 0 : i32
      %dma_start3A_299 = tpu.memref_slice %arg5[%dma_start3A_297, %dma_start3A_298] : memref<30720x16xf32, #tpu.memory_space<vmem_shared>> -> memref<30720x16xf32, #tpu.memory_space<vmem_shared>>
      %dma_start3A_300 = tpu.memref_slice %arg8[%dma_start3A] : memref<8x!tpu.dma_semaphore, #tpu.memory_space<semaphore_mem>> -> memref<1x!tpu.dma_semaphore, #tpu.memory_space<semaphore_mem>>
      %dma_start3A_301 = tpu.memref_squeeze %dma_start3A_300 : memref<1x!tpu.dma_semaphore, #tpu.memory_space<semaphore_mem>> -> memref<!tpu.dma_semaphore, #tpu.memory_space<semaphore_mem>>
      tpu.enqueue_indirect_dma source(%arg7 : memref<128x16xf32, #tpu.memory_space<vmem>>) target(%dma_start3A_299 : memref<30720x16xf32, #tpu.memory_space<vmem_shared>>) offsets(%dma_start3A_296 : memref<128xi32, #tpu.memory_space<vmem>>) semaphore(%dma_start3A_301 : memref<!tpu.dma_semaphore, #tpu.memory_space<semaphore_mem>>) {add = true}
      %ge3A = arith.constant 8 : i32
      %ge3A_302 = arith.cmpi sge, %add3A_293, %ge3A : i32
      %convert_element_type3A = arith.extui %ge3A_302 : i1 to i32
      %cond3A = arith.constant 0 : i32
      %cond3A_303 = arith.cmpi ne, %convert_element_type3A, %cond3A : i32
      scf.if %cond3A_303 {
        %sub3A = arith.constant 8 : i32
        %sub3A_431 = arith.subi %add3A_293, %sub3A : i32
        %dma_wait3A_432 = arith.constant 0 : i32
        %dma_wait3A_433 = arith.constant 0 : i32
        %dma_wait3A_434 = tpu.memref_slice %arg6[%sub3A_431, %dma_wait3A_433] : memref<40x128xi32, #tpu.memory_space<vmem>> -> memref<1x128xi32, #tpu.memory_space<vmem>>
        %dma_wait3A_435 = tpu.memref_squeeze %dma_wait3A_434 : memref<1x128xi32, #tpu.memory_space<vmem>> -> memref<128xi32, #tpu.memory_space<vmem>>
        %dma_wait3A_436 = arith.constant 0 : i32
        %dma_wait3A_437 = arith.constant 0 : i32
        %dma_wait3A_438 = tpu.memref_slice %arg5[%dma_wait3A_436, %dma_wait3A_437] : memref<30720x16xf32, #tpu.memory_space<vmem_shared>> -> memref<30720x16xf32, #tpu.memory_space<vmem_shared>>
        %dma_wait3A_439 = tpu.memref_slice %arg8[%dma_wait3A_432] : memref<8x!tpu.dma_semaphore, #tpu.memory_space<semaphore_mem>> -> memref<1x!tpu.dma_semaphore, #tpu.memory_space<semaphore_mem>>
        %dma_wait3A_440 = tpu.memref_squeeze %dma_wait3A_439 : memref<1x!tpu.dma_semaphore, #tpu.memory_space<semaphore_mem>> -> memref<!tpu.dma_semaphore, #tpu.memory_space<semaphore_mem>>
        tpu.wait_indirect_dma semaphore(%dma_wait3A_440 : memref<!tpu.dma_semaphore, #tpu.memory_space<semaphore_mem>>) src(%arg7 : memref<128x16xf32, #tpu.memory_space<vmem>>) dst(%dma_wait3A_438 : memref<30720x16xf32, #tpu.memory_space<vmem_shared>>)
      } else {
      }
      %mul3A_304 = arith.constant 8 : i32
      %mul3A_305 = arith.muli %scan3A_288, %mul3A_304 : i32
      %add3A_306 = arith.constant 1 : i32
      %add3A_307 = arith.addi %mul3A_305, %add3A_306 : i32
      %dma_start3A_308 = arith.constant 1 : i32
      %dma_start3A_309 = arith.constant 0 : i32
      %dma_start3A_310 = tpu.memref_slice %arg6[%add3A_307, %dma_start3A_309] : memref<40x128xi32, #tpu.memory_space<vmem>> -> memref<1x128xi32, #tpu.memory_space<vmem>>
      %dma_start3A_311 = tpu.memref_squeeze %dma_start3A_310 : memref<1x128xi32, #tpu.memory_space<vmem>> -> memref<128xi32, #tpu.memory_space<vmem>>
      %dma_start3A_312 = arith.constant 0 : i32
      %dma_start3A_313 = arith.constant 0 : i32
      %dma_start3A_314 = tpu.memref_slice %arg5[%dma_start3A_312, %dma_start3A_313] : memref<30720x16xf32, #tpu.memory_space<vmem_shared>> -> memref<30720x16xf32, #tpu.memory_space<vmem_shared>>
      %dma_start3A_315 = tpu.memref_slice %arg8[%dma_start3A_308] : memref<8x!tpu.dma_semaphore, #tpu.memory_space<semaphore_mem>> -> memref<1x!tpu.dma_semaphore, #tpu.memory_space<semaphore_mem>>
      %dma_start3A_316 = tpu.memref_squeeze %dma_start3A_315 : memref<1x!tpu.dma_semaphore, #tpu.memory_space<semaphore_mem>> -> memref<!tpu.dma_semaphore, #tpu.memory_space<semaphore_mem>>
      tpu.enqueue_indirect_dma source(%arg7 : memref<128x16xf32, #tpu.memory_space<vmem>>) target(%dma_start3A_314 : memref<30720x16xf32, #tpu.memory_space<vmem_shared>>) offsets(%dma_start3A_311 : memref<128xi32, #tpu.memory_space<vmem>>) semaphore(%dma_start3A_316 : memref<!tpu.dma_semaphore, #tpu.memory_space<semaphore_mem>>) {add = true}
      %ge3A_317 = arith.constant 8 : i32
      %ge3A_318 = arith.cmpi sge, %add3A_307, %ge3A_317 : i32
      %convert_element_type3A_319 = arith.extui %ge3A_318 : i1 to i32
      %cond3A_320 = arith.constant 0 : i32
      %cond3A_321 = arith.cmpi ne, %convert_element_type3A_319, %cond3A_320 : i32
      scf.if %cond3A_321 {
        %sub3A = arith.constant 8 : i32
        %sub3A_431 = arith.subi %add3A_307, %sub3A : i32
        %dma_wait3A_432 = arith.constant 1 : i32
        %dma_wait3A_433 = arith.constant 0 : i32
        %dma_wait3A_434 = tpu.memref_slice %arg6[%sub3A_431, %dma_wait3A_433] : memref<40x128xi32, #tpu.memory_space<vmem>> -> memref<1x128xi32, #tpu.memory_space<vmem>>
        %dma_wait3A_435 = tpu.memref_squeeze %dma_wait3A_434 : memref<1x128xi32, #tpu.memory_space<vmem>> -> memref<128xi32, #tpu.memory_space<vmem>>
        %dma_wait3A_436 = arith.constant 0 : i32
        %dma_wait3A_437 = arith.constant 0 : i32
        %dma_wait3A_438 = tpu.memref_slice %arg5[%dma_wait3A_436, %dma_wait3A_437] : memref<30720x16xf32, #tpu.memory_space<vmem_shared>> -> memref<30720x16xf32, #tpu.memory_space<vmem_shared>>
        %dma_wait3A_439 = tpu.memref_slice %arg8[%dma_wait3A_432] : memref<8x!tpu.dma_semaphore, #tpu.memory_space<semaphore_mem>> -> memref<1x!tpu.dma_semaphore, #tpu.memory_space<semaphore_mem>>
        %dma_wait3A_440 = tpu.memref_squeeze %dma_wait3A_439 : memref<1x!tpu.dma_semaphore, #tpu.memory_space<semaphore_mem>> -> memref<!tpu.dma_semaphore, #tpu.memory_space<semaphore_mem>>
        tpu.wait_indirect_dma semaphore(%dma_wait3A_440 : memref<!tpu.dma_semaphore, #tpu.memory_space<semaphore_mem>>) src(%arg7 : memref<128x16xf32, #tpu.memory_space<vmem>>) dst(%dma_wait3A_438 : memref<30720x16xf32, #tpu.memory_space<vmem_shared>>)
      } else {
      }
      %mul3A_322 = arith.constant 8 : i32
      %mul3A_323 = arith.muli %scan3A_288, %mul3A_322 : i32
      %add3A_324 = arith.constant 2 : i32
      %add3A_325 = arith.addi %mul3A_323, %add3A_324 : i32
      %dma_start3A_326 = arith.constant 2 : i32
      %dma_start3A_327 = arith.constant 0 : i32
      %dma_start3A_328 = tpu.memref_slice %arg6[%add3A_325, %dma_start3A_327] : memref<40x128xi32, #tpu.memory_space<vmem>> -> memref<1x128xi32, #tpu.memory_space<vmem>>
      %dma_start3A_329 = tpu.memref_squeeze %dma_start3A_328 : memref<1x128xi32, #tpu.memory_space<vmem>> -> memref<128xi32, #tpu.memory_space<vmem>>
      %dma_start3A_330 = arith.constant 0 : i32
      %dma_start3A_331 = arith.constant 0 : i32
      %dma_start3A_332 = tpu.memref_slice %arg5[%dma_start3A_330, %dma_start3A_331] : memref<30720x16xf32, #tpu.memory_space<vmem_shared>> -> memref<30720x16xf32, #tpu.memory_space<vmem_shared>>
      %dma_start3A_333 = tpu.memref_slice %arg8[%dma_start3A_326] : memref<8x!tpu.dma_semaphore, #tpu.memory_space<semaphore_mem>> -> memref<1x!tpu.dma_semaphore, #tpu.memory_space<semaphore_mem>>
      %dma_start3A_334 = tpu.memref_squeeze %dma_start3A_333 : memref<1x!tpu.dma_semaphore, #tpu.memory_space<semaphore_mem>> -> memref<!tpu.dma_semaphore, #tpu.memory_space<semaphore_mem>>
      tpu.enqueue_indirect_dma source(%arg7 : memref<128x16xf32, #tpu.memory_space<vmem>>) target(%dma_start3A_332 : memref<30720x16xf32, #tpu.memory_space<vmem_shared>>) offsets(%dma_start3A_329 : memref<128xi32, #tpu.memory_space<vmem>>) semaphore(%dma_start3A_334 : memref<!tpu.dma_semaphore, #tpu.memory_space<semaphore_mem>>) {add = true}
      %ge3A_335 = arith.constant 8 : i32
      %ge3A_336 = arith.cmpi sge, %add3A_325, %ge3A_335 : i32
      %convert_element_type3A_337 = arith.extui %ge3A_336 : i1 to i32
      %cond3A_338 = arith.constant 0 : i32
      %cond3A_339 = arith.cmpi ne, %convert_element_type3A_337, %cond3A_338 : i32
      scf.if %cond3A_339 {
        %sub3A = arith.constant 8 : i32
        %sub3A_431 = arith.subi %add3A_325, %sub3A : i32
        %dma_wait3A_432 = arith.constant 2 : i32
        %dma_wait3A_433 = arith.constant 0 : i32
        %dma_wait3A_434 = tpu.memref_slice %arg6[%sub3A_431, %dma_wait3A_433] : memref<40x128xi32, #tpu.memory_space<vmem>> -> memref<1x128xi32, #tpu.memory_space<vmem>>
        %dma_wait3A_435 = tpu.memref_squeeze %dma_wait3A_434 : memref<1x128xi32, #tpu.memory_space<vmem>> -> memref<128xi32, #tpu.memory_space<vmem>>
        %dma_wait3A_436 = arith.constant 0 : i32
        %dma_wait3A_437 = arith.constant 0 : i32
        %dma_wait3A_438 = tpu.memref_slice %arg5[%dma_wait3A_436, %dma_wait3A_437] : memref<30720x16xf32, #tpu.memory_space<vmem_shared>> -> memref<30720x16xf32, #tpu.memory_space<vmem_shared>>
        %dma_wait3A_439 = tpu.memref_slice %arg8[%dma_wait3A_432] : memref<8x!tpu.dma_semaphore, #tpu.memory_space<semaphore_mem>> -> memref<1x!tpu.dma_semaphore, #tpu.memory_space<semaphore_mem>>
        %dma_wait3A_440 = tpu.memref_squeeze %dma_wait3A_439 : memref<1x!tpu.dma_semaphore, #tpu.memory_space<semaphore_mem>> -> memref<!tpu.dma_semaphore, #tpu.memory_space<semaphore_mem>>
        tpu.wait_indirect_dma semaphore(%dma_wait3A_440 : memref<!tpu.dma_semaphore, #tpu.memory_space<semaphore_mem>>) src(%arg7 : memref<128x16xf32, #tpu.memory_space<vmem>>) dst(%dma_wait3A_438 : memref<30720x16xf32, #tpu.memory_space<vmem_shared>>)
      } else {
      }
      %mul3A_340 = arith.constant 8 : i32
      %mul3A_341 = arith.muli %scan3A_288, %mul3A_340 : i32
      %add3A_342 = arith.constant 3 : i32
      %add3A_343 = arith.addi %mul3A_341, %add3A_342 : i32
      %dma_start3A_344 = arith.constant 3 : i32
      %dma_start3A_345 = arith.constant 0 : i32
      %dma_start3A_346 = tpu.memref_slice %arg6[%add3A_343, %dma_start3A_345] : memref<40x128xi32, #tpu.memory_space<vmem>> -> memref<1x128xi32, #tpu.memory_space<vmem>>
      %dma_start3A_347 = tpu.memref_squeeze %dma_start3A_346 : memref<1x128xi32, #tpu.memory_space<vmem>> -> memref<128xi32, #tpu.memory_space<vmem>>
      %dma_start3A_348 = arith.constant 0 : i32
      %dma_start3A_349 = arith.constant 0 : i32
      %dma_start3A_350 = tpu.memref_slice %arg5[%dma_start3A_348, %dma_start3A_349] : memref<30720x16xf32, #tpu.memory_space<vmem_shared>> -> memref<30720x16xf32, #tpu.memory_space<vmem_shared>>
      %dma_start3A_351 = tpu.memref_slice %arg8[%dma_start3A_344] : memref<8x!tpu.dma_semaphore, #tpu.memory_space<semaphore_mem>> -> memref<1x!tpu.dma_semaphore, #tpu.memory_space<semaphore_mem>>
      %dma_start3A_352 = tpu.memref_squeeze %dma_start3A_351 : memref<1x!tpu.dma_semaphore, #tpu.memory_space<semaphore_mem>> -> memref<!tpu.dma_semaphore, #tpu.memory_space<semaphore_mem>>
      tpu.enqueue_indirect_dma source(%arg7 : memref<128x16xf32, #tpu.memory_space<vmem>>) target(%dma_start3A_350 : memref<30720x16xf32, #tpu.memory_space<vmem_shared>>) offsets(%dma_start3A_347 : memref<128xi32, #tpu.memory_space<vmem>>) semaphore(%dma_start3A_352 : memref<!tpu.dma_semaphore, #tpu.memory_space<semaphore_mem>>) {add = true}
      %ge3A_353 = arith.constant 8 : i32
      %ge3A_354 = arith.cmpi sge, %add3A_343, %ge3A_353 : i32
      %convert_element_type3A_355 = arith.extui %ge3A_354 : i1 to i32
      %cond3A_356 = arith.constant 0 : i32
      %cond3A_357 = arith.cmpi ne, %convert_element_type3A_355, %cond3A_356 : i32
      scf.if %cond3A_357 {
        %sub3A = arith.constant 8 : i32
        %sub3A_431 = arith.subi %add3A_343, %sub3A : i32
        %dma_wait3A_432 = arith.constant 3 : i32
        %dma_wait3A_433 = arith.constant 0 : i32
        %dma_wait3A_434 = tpu.memref_slice %arg6[%sub3A_431, %dma_wait3A_433] : memref<40x128xi32, #tpu.memory_space<vmem>> -> memref<1x128xi32, #tpu.memory_space<vmem>>
        %dma_wait3A_435 = tpu.memref_squeeze %dma_wait3A_434 : memref<1x128xi32, #tpu.memory_space<vmem>> -> memref<128xi32, #tpu.memory_space<vmem>>
        %dma_wait3A_436 = arith.constant 0 : i32
        %dma_wait3A_437 = arith.constant 0 : i32
        %dma_wait3A_438 = tpu.memref_slice %arg5[%dma_wait3A_436, %dma_wait3A_437] : memref<30720x16xf32, #tpu.memory_space<vmem_shared>> -> memref<30720x16xf32, #tpu.memory_space<vmem_shared>>
        %dma_wait3A_439 = tpu.memref_slice %arg8[%dma_wait3A_432] : memref<8x!tpu.dma_semaphore, #tpu.memory_space<semaphore_mem>> -> memref<1x!tpu.dma_semaphore, #tpu.memory_space<semaphore_mem>>
        %dma_wait3A_440 = tpu.memref_squeeze %dma_wait3A_439 : memref<1x!tpu.dma_semaphore, #tpu.memory_space<semaphore_mem>> -> memref<!tpu.dma_semaphore, #tpu.memory_space<semaphore_mem>>
        tpu.wait_indirect_dma semaphore(%dma_wait3A_440 : memref<!tpu.dma_semaphore, #tpu.memory_space<semaphore_mem>>) src(%arg7 : memref<128x16xf32, #tpu.memory_space<vmem>>) dst(%dma_wait3A_438 : memref<30720x16xf32, #tpu.memory_space<vmem_shared>>)
      } else {
      }
      %mul3A_358 = arith.constant 8 : i32
      %mul3A_359 = arith.muli %scan3A_288, %mul3A_358 : i32
      %add3A_360 = arith.constant 4 : i32
      %add3A_361 = arith.addi %mul3A_359, %add3A_360 : i32
      %dma_start3A_362 = arith.constant 4 : i32
      %dma_start3A_363 = arith.constant 0 : i32
      %dma_start3A_364 = tpu.memref_slice %arg6[%add3A_361, %dma_start3A_363] : memref<40x128xi32, #tpu.memory_space<vmem>> -> memref<1x128xi32, #tpu.memory_space<vmem>>
      %dma_start3A_365 = tpu.memref_squeeze %dma_start3A_364 : memref<1x128xi32, #tpu.memory_space<vmem>> -> memref<128xi32, #tpu.memory_space<vmem>>
      %dma_start3A_366 = arith.constant 0 : i32
      %dma_start3A_367 = arith.constant 0 : i32
      %dma_start3A_368 = tpu.memref_slice %arg5[%dma_start3A_366, %dma_start3A_367] : memref<30720x16xf32, #tpu.memory_space<vmem_shared>> -> memref<30720x16xf32, #tpu.memory_space<vmem_shared>>
      %dma_start3A_369 = tpu.memref_slice %arg8[%dma_start3A_362] : memref<8x!tpu.dma_semaphore, #tpu.memory_space<semaphore_mem>> -> memref<1x!tpu.dma_semaphore, #tpu.memory_space<semaphore_mem>>
      %dma_start3A_370 = tpu.memref_squeeze %dma_start3A_369 : memref<1x!tpu.dma_semaphore, #tpu.memory_space<semaphore_mem>> -> memref<!tpu.dma_semaphore, #tpu.memory_space<semaphore_mem>>
      tpu.enqueue_indirect_dma source(%arg7 : memref<128x16xf32, #tpu.memory_space<vmem>>) target(%dma_start3A_368 : memref<30720x16xf32, #tpu.memory_space<vmem_shared>>) offsets(%dma_start3A_365 : memref<128xi32, #tpu.memory_space<vmem>>) semaphore(%dma_start3A_370 : memref<!tpu.dma_semaphore, #tpu.memory_space<semaphore_mem>>) {add = true}
      %ge3A_371 = arith.constant 8 : i32
      %ge3A_372 = arith.cmpi sge, %add3A_361, %ge3A_371 : i32
      %convert_element_type3A_373 = arith.extui %ge3A_372 : i1 to i32
      %cond3A_374 = arith.constant 0 : i32
      %cond3A_375 = arith.cmpi ne, %convert_element_type3A_373, %cond3A_374 : i32
      scf.if %cond3A_375 {
        %sub3A = arith.constant 8 : i32
        %sub3A_431 = arith.subi %add3A_361, %sub3A : i32
        %dma_wait3A_432 = arith.constant 4 : i32
        %dma_wait3A_433 = arith.constant 0 : i32
        %dma_wait3A_434 = tpu.memref_slice %arg6[%sub3A_431, %dma_wait3A_433] : memref<40x128xi32, #tpu.memory_space<vmem>> -> memref<1x128xi32, #tpu.memory_space<vmem>>
        %dma_wait3A_435 = tpu.memref_squeeze %dma_wait3A_434 : memref<1x128xi32, #tpu.memory_space<vmem>> -> memref<128xi32, #tpu.memory_space<vmem>>
        %dma_wait3A_436 = arith.constant 0 : i32
        %dma_wait3A_437 = arith.constant 0 : i32
        %dma_wait3A_438 = tpu.memref_slice %arg5[%dma_wait3A_436, %dma_wait3A_437] : memref<30720x16xf32, #tpu.memory_space<vmem_shared>> -> memref<30720x16xf32, #tpu.memory_space<vmem_shared>>
        %dma_wait3A_439 = tpu.memref_slice %arg8[%dma_wait3A_432] : memref<8x!tpu.dma_semaphore, #tpu.memory_space<semaphore_mem>> -> memref<1x!tpu.dma_semaphore, #tpu.memory_space<semaphore_mem>>
        %dma_wait3A_440 = tpu.memref_squeeze %dma_wait3A_439 : memref<1x!tpu.dma_semaphore, #tpu.memory_space<semaphore_mem>> -> memref<!tpu.dma_semaphore, #tpu.memory_space<semaphore_mem>>
        tpu.wait_indirect_dma semaphore(%dma_wait3A_440 : memref<!tpu.dma_semaphore, #tpu.memory_space<semaphore_mem>>) src(%arg7 : memref<128x16xf32, #tpu.memory_space<vmem>>) dst(%dma_wait3A_438 : memref<30720x16xf32, #tpu.memory_space<vmem_shared>>)
      } else {
      }
      %mul3A_376 = arith.constant 8 : i32
      %mul3A_377 = arith.muli %scan3A_288, %mul3A_376 : i32
      %add3A_378 = arith.constant 5 : i32
      %add3A_379 = arith.addi %mul3A_377, %add3A_378 : i32
      %dma_start3A_380 = arith.constant 5 : i32
      %dma_start3A_381 = arith.constant 0 : i32
      %dma_start3A_382 = tpu.memref_slice %arg6[%add3A_379, %dma_start3A_381] : memref<40x128xi32, #tpu.memory_space<vmem>> -> memref<1x128xi32, #tpu.memory_space<vmem>>
      %dma_start3A_383 = tpu.memref_squeeze %dma_start3A_382 : memref<1x128xi32, #tpu.memory_space<vmem>> -> memref<128xi32, #tpu.memory_space<vmem>>
      %dma_start3A_384 = arith.constant 0 : i32
      %dma_start3A_385 = arith.constant 0 : i32
      %dma_start3A_386 = tpu.memref_slice %arg5[%dma_start3A_384, %dma_start3A_385] : memref<30720x16xf32, #tpu.memory_space<vmem_shared>> -> memref<30720x16xf32, #tpu.memory_space<vmem_shared>>
      %dma_start3A_387 = tpu.memref_slice %arg8[%dma_start3A_380] : memref<8x!tpu.dma_semaphore, #tpu.memory_space<semaphore_mem>> -> memref<1x!tpu.dma_semaphore, #tpu.memory_space<semaphore_mem>>
      %dma_start3A_388 = tpu.memref_squeeze %dma_start3A_387 : memref<1x!tpu.dma_semaphore, #tpu.memory_space<semaphore_mem>> -> memref<!tpu.dma_semaphore, #tpu.memory_space<semaphore_mem>>
      tpu.enqueue_indirect_dma source(%arg7 : memref<128x16xf32, #tpu.memory_space<vmem>>) target(%dma_start3A_386 : memref<30720x16xf32, #tpu.memory_space<vmem_shared>>) offsets(%dma_start3A_383 : memref<128xi32, #tpu.memory_space<vmem>>) semaphore(%dma_start3A_388 : memref<!tpu.dma_semaphore, #tpu.memory_space<semaphore_mem>>) {add = true}
      %ge3A_389 = arith.constant 8 : i32
      %ge3A_390 = arith.cmpi sge, %add3A_379, %ge3A_389 : i32
      %convert_element_type3A_391 = arith.extui %ge3A_390 : i1 to i32
      %cond3A_392 = arith.constant 0 : i32
      %cond3A_393 = arith.cmpi ne, %convert_element_type3A_391, %cond3A_392 : i32
      scf.if %cond3A_393 {
        %sub3A = arith.constant 8 : i32
        %sub3A_431 = arith.subi %add3A_379, %sub3A : i32
        %dma_wait3A_432 = arith.constant 5 : i32
        %dma_wait3A_433 = arith.constant 0 : i32
        %dma_wait3A_434 = tpu.memref_slice %arg6[%sub3A_431, %dma_wait3A_433] : memref<40x128xi32, #tpu.memory_space<vmem>> -> memref<1x128xi32, #tpu.memory_space<vmem>>
        %dma_wait3A_435 = tpu.memref_squeeze %dma_wait3A_434 : memref<1x128xi32, #tpu.memory_space<vmem>> -> memref<128xi32, #tpu.memory_space<vmem>>
        %dma_wait3A_436 = arith.constant 0 : i32
        %dma_wait3A_437 = arith.constant 0 : i32
        %dma_wait3A_438 = tpu.memref_slice %arg5[%dma_wait3A_436, %dma_wait3A_437] : memref<30720x16xf32, #tpu.memory_space<vmem_shared>> -> memref<30720x16xf32, #tpu.memory_space<vmem_shared>>
        %dma_wait3A_439 = tpu.memref_slice %arg8[%dma_wait3A_432] : memref<8x!tpu.dma_semaphore, #tpu.memory_space<semaphore_mem>> -> memref<1x!tpu.dma_semaphore, #tpu.memory_space<semaphore_mem>>
        %dma_wait3A_440 = tpu.memref_squeeze %dma_wait3A_439 : memref<1x!tpu.dma_semaphore, #tpu.memory_space<semaphore_mem>> -> memref<!tpu.dma_semaphore, #tpu.memory_space<semaphore_mem>>
        tpu.wait_indirect_dma semaphore(%dma_wait3A_440 : memref<!tpu.dma_semaphore, #tpu.memory_space<semaphore_mem>>) src(%arg7 : memref<128x16xf32, #tpu.memory_space<vmem>>) dst(%dma_wait3A_438 : memref<30720x16xf32, #tpu.memory_space<vmem_shared>>)
      } else {
      }
      %mul3A_394 = arith.constant 8 : i32
      %mul3A_395 = arith.muli %scan3A_288, %mul3A_394 : i32
      %add3A_396 = arith.constant 6 : i32
      %add3A_397 = arith.addi %mul3A_395, %add3A_396 : i32
      %dma_start3A_398 = arith.constant 6 : i32
      %dma_start3A_399 = arith.constant 0 : i32
      %dma_start3A_400 = tpu.memref_slice %arg6[%add3A_397, %dma_start3A_399] : memref<40x128xi32, #tpu.memory_space<vmem>> -> memref<1x128xi32, #tpu.memory_space<vmem>>
      %dma_start3A_401 = tpu.memref_squeeze %dma_start3A_400 : memref<1x128xi32, #tpu.memory_space<vmem>> -> memref<128xi32, #tpu.memory_space<vmem>>
      %dma_start3A_402 = arith.constant 0 : i32
      %dma_start3A_403 = arith.constant 0 : i32
      %dma_start3A_404 = tpu.memref_slice %arg5[%dma_start3A_402, %dma_start3A_403] : memref<30720x16xf32, #tpu.memory_space<vmem_shared>> -> memref<30720x16xf32, #tpu.memory_space<vmem_shared>>
      %dma_start3A_405 = tpu.memref_slice %arg8[%dma_start3A_398] : memref<8x!tpu.dma_semaphore, #tpu.memory_space<semaphore_mem>> -> memref<1x!tpu.dma_semaphore, #tpu.memory_space<semaphore_mem>>
      %dma_start3A_406 = tpu.memref_squeeze %dma_start3A_405 : memref<1x!tpu.dma_semaphore, #tpu.memory_space<semaphore_mem>> -> memref<!tpu.dma_semaphore, #tpu.memory_space<semaphore_mem>>
      tpu.enqueue_indirect_dma source(%arg7 : memref<128x16xf32, #tpu.memory_space<vmem>>) target(%dma_start3A_404 : memref<30720x16xf32, #tpu.memory_space<vmem_shared>>) offsets(%dma_start3A_401 : memref<128xi32, #tpu.memory_space<vmem>>) semaphore(%dma_start3A_406 : memref<!tpu.dma_semaphore, #tpu.memory_space<semaphore_mem>>) {add = true}
      %ge3A_407 = arith.constant 8 : i32
      %ge3A_408 = arith.cmpi sge, %add3A_397, %ge3A_407 : i32
      %convert_element_type3A_409 = arith.extui %ge3A_408 : i1 to i32
      %cond3A_410 = arith.constant 0 : i32
      %cond3A_411 = arith.cmpi ne, %convert_element_type3A_409, %cond3A_410 : i32
      scf.if %cond3A_411 {
        %sub3A = arith.constant 8 : i32
        %sub3A_431 = arith.subi %add3A_397, %sub3A : i32
        %dma_wait3A_432 = arith.constant 6 : i32
        %dma_wait3A_433 = arith.constant 0 : i32
        %dma_wait3A_434 = tpu.memref_slice %arg6[%sub3A_431, %dma_wait3A_433] : memref<40x128xi32, #tpu.memory_space<vmem>> -> memref<1x128xi32, #tpu.memory_space<vmem>>
        %dma_wait3A_435 = tpu.memref_squeeze %dma_wait3A_434 : memref<1x128xi32, #tpu.memory_space<vmem>> -> memref<128xi32, #tpu.memory_space<vmem>>
        %dma_wait3A_436 = arith.constant 0 : i32
        %dma_wait3A_437 = arith.constant 0 : i32
        %dma_wait3A_438 = tpu.memref_slice %arg5[%dma_wait3A_436, %dma_wait3A_437] : memref<30720x16xf32, #tpu.memory_space<vmem_shared>> -> memref<30720x16xf32, #tpu.memory_space<vmem_shared>>
        %dma_wait3A_439 = tpu.memref_slice %arg8[%dma_wait3A_432] : memref<8x!tpu.dma_semaphore, #tpu.memory_space<semaphore_mem>> -> memref<1x!tpu.dma_semaphore, #tpu.memory_space<semaphore_mem>>
        %dma_wait3A_440 = tpu.memref_squeeze %dma_wait3A_439 : memref<1x!tpu.dma_semaphore, #tpu.memory_space<semaphore_mem>> -> memref<!tpu.dma_semaphore, #tpu.memory_space<semaphore_mem>>
        tpu.wait_indirect_dma semaphore(%dma_wait3A_440 : memref<!tpu.dma_semaphore, #tpu.memory_space<semaphore_mem>>) src(%arg7 : memref<128x16xf32, #tpu.memory_space<vmem>>) dst(%dma_wait3A_438 : memref<30720x16xf32, #tpu.memory_space<vmem_shared>>)
      } else {
      }
      %mul3A_412 = arith.constant 8 : i32
      %mul3A_413 = arith.muli %scan3A_288, %mul3A_412 : i32
      %add3A_414 = arith.constant 7 : i32
      %add3A_415 = arith.addi %mul3A_413, %add3A_414 : i32
      %dma_start3A_416 = arith.constant 7 : i32
      %dma_start3A_417 = arith.constant 0 : i32
      %dma_start3A_418 = tpu.memref_slice %arg6[%add3A_415, %dma_start3A_417] : memref<40x128xi32, #tpu.memory_space<vmem>> -> memref<1x128xi32, #tpu.memory_space<vmem>>
      %dma_start3A_419 = tpu.memref_squeeze %dma_start3A_418 : memref<1x128xi32, #tpu.memory_space<vmem>> -> memref<128xi32, #tpu.memory_space<vmem>>
      %dma_start3A_420 = arith.constant 0 : i32
      %dma_start3A_421 = arith.constant 0 : i32
      %dma_start3A_422 = tpu.memref_slice %arg5[%dma_start3A_420, %dma_start3A_421] : memref<30720x16xf32, #tpu.memory_space<vmem_shared>> -> memref<30720x16xf32, #tpu.memory_space<vmem_shared>>
      %dma_start3A_423 = tpu.memref_slice %arg8[%dma_start3A_416] : memref<8x!tpu.dma_semaphore, #tpu.memory_space<semaphore_mem>> -> memref<1x!tpu.dma_semaphore, #tpu.memory_space<semaphore_mem>>
      %dma_start3A_424 = tpu.memref_squeeze %dma_start3A_423 : memref<1x!tpu.dma_semaphore, #tpu.memory_space<semaphore_mem>> -> memref<!tpu.dma_semaphore, #tpu.memory_space<semaphore_mem>>
      tpu.enqueue_indirect_dma source(%arg7 : memref<128x16xf32, #tpu.memory_space<vmem>>) target(%dma_start3A_422 : memref<30720x16xf32, #tpu.memory_space<vmem_shared>>) offsets(%dma_start3A_419 : memref<128xi32, #tpu.memory_space<vmem>>) semaphore(%dma_start3A_424 : memref<!tpu.dma_semaphore, #tpu.memory_space<semaphore_mem>>) {add = true}
      %ge3A_425 = arith.constant 8 : i32
      %ge3A_426 = arith.cmpi sge, %add3A_415, %ge3A_425 : i32
      %convert_element_type3A_427 = arith.extui %ge3A_426 : i1 to i32
      %cond3A_428 = arith.constant 0 : i32
      %cond3A_429 = arith.cmpi ne, %convert_element_type3A_427, %cond3A_428 : i32
      scf.if %cond3A_429 {
        %sub3A = arith.constant 8 : i32
        %sub3A_431 = arith.subi %add3A_415, %sub3A : i32
        %dma_wait3A_432 = arith.constant 7 : i32
        %dma_wait3A_433 = arith.constant 0 : i32
        %dma_wait3A_434 = tpu.memref_slice %arg6[%sub3A_431, %dma_wait3A_433] : memref<40x128xi32, #tpu.memory_space<vmem>> -> memref<1x128xi32, #tpu.memory_space<vmem>>
        %dma_wait3A_435 = tpu.memref_squeeze %dma_wait3A_434 : memref<1x128xi32, #tpu.memory_space<vmem>> -> memref<128xi32, #tpu.memory_space<vmem>>
        %dma_wait3A_436 = arith.constant 0 : i32
        %dma_wait3A_437 = arith.constant 0 : i32
        %dma_wait3A_438 = tpu.memref_slice %arg5[%dma_wait3A_436, %dma_wait3A_437] : memref<30720x16xf32, #tpu.memory_space<vmem_shared>> -> memref<30720x16xf32, #tpu.memory_space<vmem_shared>>
        %dma_wait3A_439 = tpu.memref_slice %arg8[%dma_wait3A_432] : memref<8x!tpu.dma_semaphore, #tpu.memory_space<semaphore_mem>> -> memref<1x!tpu.dma_semaphore, #tpu.memory_space<semaphore_mem>>
        %dma_wait3A_440 = tpu.memref_squeeze %dma_wait3A_439 : memref<1x!tpu.dma_semaphore, #tpu.memory_space<semaphore_mem>> -> memref<!tpu.dma_semaphore, #tpu.memory_space<semaphore_mem>>
        tpu.wait_indirect_dma semaphore(%dma_wait3A_440 : memref<!tpu.dma_semaphore, #tpu.memory_space<semaphore_mem>>) src(%arg7 : memref<128x16xf32, #tpu.memory_space<vmem>>) dst(%dma_wait3A_438 : memref<30720x16xf32, #tpu.memory_space<vmem_shared>>)
      } else {
      }
      %scan3A_430 = arith.constant 0 : i32
      scf.yield %scan3A_430 : i32
    }
    %scan3A_18 = arith.constant 5 : i32
    %dma_wait3A = arith.constant 32 : i32
    %dma_wait3A_19 = arith.constant 0 : i32
    %dma_wait3A_20 = arith.constant 0 : i32
    %dma_wait3A_21 = tpu.memref_slice %arg6[%dma_wait3A, %dma_wait3A_20] : memref<40x128xi32, #tpu.memory_space<vmem>> -> memref<1x128xi32, #tpu.memory_space<vmem>>
    %dma_wait3A_22 = tpu.memref_squeeze %dma_wait3A_21 : memref<1x128xi32, #tpu.memory_space<vmem>> -> memref<128xi32, #tpu.memory_space<vmem>>
    %dma_wait3A_23 = arith.constant 0 : i32
    %dma_wait3A_24 = arith.constant 0 : i32
    %dma_wait3A_25 = tpu.memref_slice %arg5[%dma_wait3A_23, %dma_wait3A_24] : memref<30720x16xf32, #tpu.memory_space<vmem_shared>> -> memref<30720x16xf32, #tpu.memory_space<vmem_shared>>
    %dma_wait3A_26 = tpu.memref_slice %arg8[%dma_wait3A_19] : memref<8x!tpu.dma_semaphore, #tpu.memory_space<semaphore_mem>> -> memref<1x!tpu.dma_semaphore, #tpu.memory_space<semaphore_mem>>
    %dma_wait3A_27 = tpu.memref_squeeze %dma_wait3A_26 : memref<1x!tpu.dma_semaphore, #tpu.memory_space<semaphore_mem>> -> memref<!tpu.dma_semaphore, #tpu.memory_space<semaphore_mem>>
    tpu.wait_indirect_dma semaphore(%dma_wait3A_27 : memref<!tpu.dma_semaphore, #tpu.memory_space<semaphore_mem>>) src(%arg7 : memref<128x16xf32, #tpu.memory_space<vmem>>) dst(%dma_wait3A_25 : memref<30720x16xf32, #tpu.memory_space<vmem_shared>>)
    %dma_wait3A_28 = arith.constant 33 : i32
    %dma_wait3A_29 = arith.constant 1 : i32
    %dma_wait3A_30 = arith.constant 0 : i32
    %dma_wait3A_31 = tpu.memref_slice %arg6[%dma_wait3A_28, %dma_wait3A_30] : memref<40x128xi32, #tpu.memory_space<vmem>> -> memref<1x128xi32, #tpu.memory_space<vmem>>
    %dma_wait3A_32 = tpu.memref_squeeze %dma_wait3A_31 : memref<1x128xi32, #tpu.memory_space<vmem>> -> memref<128xi32, #tpu.memory_space<vmem>>
    %dma_wait3A_33 = arith.constant 0 : i32
    %dma_wait3A_34 = arith.constant 0 : i32
    %dma_wait3A_35 = tpu.memref_slice %arg5[%dma_wait3A_33, %dma_wait3A_34] : memref<30720x16xf32, #tpu.memory_space<vmem_shared>> -> memref<30720x16xf32, #tpu.memory_space<vmem_shared>>
    %dma_wait3A_36 = tpu.memref_slice %arg8[%dma_wait3A_29] : memref<8x!tpu.dma_semaphore, #tpu.memory_space<semaphore_mem>> -> memref<1x!tpu.dma_semaphore, #tpu.memory_space<semaphore_mem>>
    %dma_wait3A_37 = tpu.memref_squeeze %dma_wait3A_36 : memref<1x!tpu.dma_semaphore, #tpu.memory_space<semaphore_mem>> -> memref<!tpu.dma_semaphore, #tpu.memory_space<semaphore_mem>>
    tpu.wait_indirect_dma semaphore(%dma_wait3A_37 : memref<!tpu.dma_semaphore, #tpu.memory_space<semaphore_mem>>) src(%arg7 : memref<128x16xf32, #tpu.memory_space<vmem>>) dst(%dma_wait3A_35 : memref<30720x16xf32, #tpu.memory_space<vmem_shared>>)
    %dma_wait3A_38 = arith.constant 34 : i32
    %dma_wait3A_39 = arith.constant 2 : i32
    %dma_wait3A_40 = arith.constant 0 : i32
    %dma_wait3A_41 = tpu.memref_slice %arg6[%dma_wait3A_38, %dma_wait3A_40] : memref<40x128xi32, #tpu.memory_space<vmem>> -> memref<1x128xi32, #tpu.memory_space<vmem>>
    %dma_wait3A_42 = tpu.memref_squeeze %dma_wait3A_41 : memref<1x128xi32, #tpu.memory_space<vmem>> -> memref<128xi32, #tpu.memory_space<vmem>>
    %dma_wait3A_43 = arith.constant 0 : i32
    %dma_wait3A_44 = arith.constant 0 : i32
    %dma_wait3A_45 = tpu.memref_slice %arg5[%dma_wait3A_43, %dma_wait3A_44] : memref<30720x16xf32, #tpu.memory_space<vmem_shared>> -> memref<30720x16xf32, #tpu.memory_space<vmem_shared>>
    %dma_wait3A_46 = tpu.memref_slice %arg8[%dma_wait3A_39] : memref<8x!tpu.dma_semaphore, #tpu.memory_space<semaphore_mem>> -> memref<1x!tpu.dma_semaphore, #tpu.memory_space<semaphore_mem>>
    %dma_wait3A_47 = tpu.memref_squeeze %dma_wait3A_46 : memref<1x!tpu.dma_semaphore, #tpu.memory_space<semaphore_mem>> -> memref<!tpu.dma_semaphore, #tpu.memory_space<semaphore_mem>>
    tpu.wait_indirect_dma semaphore(%dma_wait3A_47 : memref<!tpu.dma_semaphore, #tpu.memory_space<semaphore_mem>>) src(%arg7 : memref<128x16xf32, #tpu.memory_space<vmem>>) dst(%dma_wait3A_45 : memref<30720x16xf32, #tpu.memory_space<vmem_shared>>)
    %dma_wait3A_48 = arith.constant 35 : i32
    %dma_wait3A_49 = arith.constant 3 : i32
    %dma_wait3A_50 = arith.constant 0 : i32
    %dma_wait3A_51 = tpu.memref_slice %arg6[%dma_wait3A_48, %dma_wait3A_50] : memref<40x128xi32, #tpu.memory_space<vmem>> -> memref<1x128xi32, #tpu.memory_space<vmem>>
    %dma_wait3A_52 = tpu.memref_squeeze %dma_wait3A_51 : memref<1x128xi32, #tpu.memory_space<vmem>> -> memref<128xi32, #tpu.memory_space<vmem>>
    %dma_wait3A_53 = arith.constant 0 : i32
    %dma_wait3A_54 = arith.constant 0 : i32
    %dma_wait3A_55 = tpu.memref_slice %arg5[%dma_wait3A_53, %dma_wait3A_54] : memref<30720x16xf32, #tpu.memory_space<vmem_shared>> -> memref<30720x16xf32, #tpu.memory_space<vmem_shared>>
    %dma_wait3A_56 = tpu.memref_slice %arg8[%dma_wait3A_49] : memref<8x!tpu.dma_semaphore, #tpu.memory_space<semaphore_mem>> -> memref<1x!tpu.dma_semaphore, #tpu.memory_space<semaphore_mem>>
    %dma_wait3A_57 = tpu.memref_squeeze %dma_wait3A_56 : memref<1x!tpu.dma_semaphore, #tpu.memory_space<semaphore_mem>> -> memref<!tpu.dma_semaphore, #tpu.memory_space<semaphore_mem>>
    tpu.wait_indirect_dma semaphore(%dma_wait3A_57 : memref<!tpu.dma_semaphore, #tpu.memory_space<semaphore_mem>>) src(%arg7 : memref<128x16xf32, #tpu.memory_space<vmem>>) dst(%dma_wait3A_55 : memref<30720x16xf32, #tpu.memory_space<vmem_shared>>)
    %dma_wait3A_58 = arith.constant 36 : i32
    %dma_wait3A_59 = arith.constant 4 : i32
    %dma_wait3A_60 = arith.constant 0 : i32
    %dma_wait3A_61 = tpu.memref_slice %arg6[%dma_wait3A_58, %dma_wait3A_60] : memref<40x128xi32, #tpu.memory_space<vmem>> -> memref<1x128xi32, #tpu.memory_space<vmem>>
    %dma_wait3A_62 = tpu.memref_squeeze %dma_wait3A_61 : memref<1x128xi32, #tpu.memory_space<vmem>> -> memref<128xi32, #tpu.memory_space<vmem>>
    %dma_wait3A_63 = arith.constant 0 : i32
    %dma_wait3A_64 = arith.constant 0 : i32
    %dma_wait3A_65 = tpu.memref_slice %arg5[%dma_wait3A_63, %dma_wait3A_64] : memref<30720x16xf32, #tpu.memory_space<vmem_shared>> -> memref<30720x16xf32, #tpu.memory_space<vmem_shared>>
    %dma_wait3A_66 = tpu.memref_slice %arg8[%dma_wait3A_59] : memref<8x!tpu.dma_semaphore, #tpu.memory_space<semaphore_mem>> -> memref<1x!tpu.dma_semaphore, #tpu.memory_space<semaphore_mem>>
    %dma_wait3A_67 = tpu.memref_squeeze %dma_wait3A_66 : memref<1x!tpu.dma_semaphore, #tpu.memory_space<semaphore_mem>> -> memref<!tpu.dma_semaphore, #tpu.memory_space<semaphore_mem>>
    tpu.wait_indirect_dma semaphore(%dma_wait3A_67 : memref<!tpu.dma_semaphore, #tpu.memory_space<semaphore_mem>>) src(%arg7 : memref<128x16xf32, #tpu.memory_space<vmem>>) dst(%dma_wait3A_65 : memref<30720x16xf32, #tpu.memory_space<vmem_shared>>)
    %dma_wait3A_68 = arith.constant 37 : i32
    %dma_wait3A_69 = arith.constant 5 : i32
    %dma_wait3A_70 = arith.constant 0 : i32
    %dma_wait3A_71 = tpu.memref_slice %arg6[%dma_wait3A_68, %dma_wait3A_70] : memref<40x128xi32, #tpu.memory_space<vmem>> -> memref<1x128xi32, #tpu.memory_space<vmem>>
    %dma_wait3A_72 = tpu.memref_squeeze %dma_wait3A_71 : memref<1x128xi32, #tpu.memory_space<vmem>> -> memref<128xi32, #tpu.memory_space<vmem>>
    %dma_wait3A_73 = arith.constant 0 : i32
    %dma_wait3A_74 = arith.constant 0 : i32
    %dma_wait3A_75 = tpu.memref_slice %arg5[%dma_wait3A_73, %dma_wait3A_74] : memref<30720x16xf32, #tpu.memory_space<vmem_shared>> -> memref<30720x16xf32, #tpu.memory_space<vmem_shared>>
    %dma_wait3A_76 = tpu.memref_slice %arg8[%dma_wait3A_69] : memref<8x!tpu.dma_semaphore, #tpu.memory_space<semaphore_mem>> -> memref<1x!tpu.dma_semaphore, #tpu.memory_space<semaphore_mem>>
    %dma_wait3A_77 = tpu.memref_squeeze %dma_wait3A_76 : memref<1x!tpu.dma_semaphore, #tpu.memory_space<semaphore_mem>> -> memref<!tpu.dma_semaphore, #tpu.memory_space<semaphore_mem>>
    tpu.wait_indirect_dma semaphore(%dma_wait3A_77 : memref<!tpu.dma_semaphore, #tpu.memory_space<semaphore_mem>>) src(%arg7 : memref<128x16xf32, #tpu.memory_space<vmem>>) dst(%dma_wait3A_75 : memref<30720x16xf32, #tpu.memory_space<vmem_shared>>)
    %dma_wait3A_78 = arith.constant 38 : i32
    %dma_wait3A_79 = arith.constant 6 : i32
    %dma_wait3A_80 = arith.constant 0 : i32
    %dma_wait3A_81 = tpu.memref_slice %arg6[%dma_wait3A_78, %dma_wait3A_80] : memref<40x128xi32, #tpu.memory_space<vmem>> -> memref<1x128xi32, #tpu.memory_space<vmem>>
    %dma_wait3A_82 = tpu.memref_squeeze %dma_wait3A_81 : memref<1x128xi32, #tpu.memory_space<vmem>> -> memref<128xi32, #tpu.memory_space<vmem>>
    %dma_wait3A_83 = arith.constant 0 : i32
    %dma_wait3A_84 = arith.constant 0 : i32
    %dma_wait3A_85 = tpu.memref_slice %arg5[%dma_wait3A_83, %dma_wait3A_84] : memref<30720x16xf32, #tpu.memory_space<vmem_shared>> -> memref<30720x16xf32, #tpu.memory_space<vmem_shared>>
    %dma_wait3A_86 = tpu.memref_slice %arg8[%dma_wait3A_79] : memref<8x!tpu.dma_semaphore, #tpu.memory_space<semaphore_mem>> -> memref<1x!tpu.dma_semaphore, #tpu.memory_space<semaphore_mem>>
    %dma_wait3A_87 = tpu.memref_squeeze %dma_wait3A_86 : memref<1x!tpu.dma_semaphore, #tpu.memory_space<semaphore_mem>> -> memref<!tpu.dma_semaphore, #tpu.memory_space<semaphore_mem>>
    tpu.wait_indirect_dma semaphore(%dma_wait3A_87 : memref<!tpu.dma_semaphore, #tpu.memory_space<semaphore_mem>>) src(%arg7 : memref<128x16xf32, #tpu.memory_space<vmem>>) dst(%dma_wait3A_85 : memref<30720x16xf32, #tpu.memory_space<vmem_shared>>)
    %dma_wait3A_88 = arith.constant 39 : i32
    %dma_wait3A_89 = arith.constant 7 : i32
    %dma_wait3A_90 = arith.constant 0 : i32
    %dma_wait3A_91 = tpu.memref_slice %arg6[%dma_wait3A_88, %dma_wait3A_90] : memref<40x128xi32, #tpu.memory_space<vmem>> -> memref<1x128xi32, #tpu.memory_space<vmem>>
    %dma_wait3A_92 = tpu.memref_squeeze %dma_wait3A_91 : memref<1x128xi32, #tpu.memory_space<vmem>> -> memref<128xi32, #tpu.memory_space<vmem>>
    %dma_wait3A_93 = arith.constant 0 : i32
    %dma_wait3A_94 = arith.constant 0 : i32
    %dma_wait3A_95 = tpu.memref_slice %arg5[%dma_wait3A_93, %dma_wait3A_94] : memref<30720x16xf32, #tpu.memory_space<vmem_shared>> -> memref<30720x16xf32, #tpu.memory_space<vmem_shared>>
    %dma_wait3A_96 = tpu.memref_slice %arg8[%dma_wait3A_89] : memref<8x!tpu.dma_semaphore, #tpu.memory_space<semaphore_mem>> -> memref<1x!tpu.dma_semaphore, #tpu.memory_space<semaphore_mem>>
    %dma_wait3A_97 = tpu.memref_squeeze %dma_wait3A_96 : memref<1x!tpu.dma_semaphore, #tpu.memory_space<semaphore_mem>> -> memref<!tpu.dma_semaphore, #tpu.memory_space<semaphore_mem>>
    tpu.wait_indirect_dma semaphore(%dma_wait3A_97 : memref<!tpu.dma_semaphore, #tpu.memory_space<semaphore_mem>>) src(%arg7 : memref<128x16xf32, #tpu.memory_space<vmem>>) dst(%dma_wait3A_95 : memref<30720x16xf32, #tpu.memory_space<vmem_shared>>)
    %mul3A_98 = arith.constant 120 : i32
    %mul3A_99 = arith.muli %arg0, %mul3A_98 : i32
    %add3A_100 = arith.constant 40 : i32
    %add3A_101 = arith.addi %mul3A_99, %add3A_100 : i32
    "tpu.region"() ({
      %run_scoped3A = tpu.sem_alloc : memref<!tpu.dma_semaphore, #tpu.memory_space<semaphore_mem>>
      %dma_start3A = arith.constant 0 : i32
      %dma_start3A_288 = tpu.memref_slice %arg2[%arg1, %add3A_101, %dma_start3A] : memref<16x240x128xi32, #tpu.memory_space<hbm>> -> memref<1x40x128xi32, #tpu.memory_space<hbm>>
      %dma_start3A_289 = tpu.memref_squeeze %dma_start3A_288 : memref<1x40x128xi32, #tpu.memory_space<hbm>> -> memref<40x128xi32, #tpu.memory_space<hbm>>
      %dma_start3A_290 = arith.constant 0 : i32
      %dma_start3A_291 = tpu.memref_slice %arg2[%arg1, %add3A_101, %dma_start3A_290] : memref<16x240x128xi32, #tpu.memory_space<hbm>> -> memref<1x40x128xi32, #tpu.memory_space<hbm>>
      %dma_start3A_292 = tpu.memref_squeeze %dma_start3A_291 : memref<1x40x128xi32, #tpu.memory_space<hbm>> -> memref<40x128xi32, #tpu.memory_space<hbm>>
      tpu.enqueue_dma source(%dma_start3A_292 : memref<40x128xi32, #tpu.memory_space<hbm>>) target(%arg6 : memref<40x128xi32, #tpu.memory_space<vmem>>) target_semaphore(%run_scoped3A : memref<!tpu.dma_semaphore, #tpu.memory_space<semaphore_mem>>)
      %dma_wait3A_293 = arith.constant 0 : i32
      %dma_wait3A_294 = tpu.memref_slice %arg2[%arg1, %add3A_101, %dma_wait3A_293] : memref<16x240x128xi32, #tpu.memory_space<hbm>> -> memref<1x40x128xi32, #tpu.memory_space<hbm>>
      %dma_wait3A_295 = tpu.memref_squeeze %dma_wait3A_294 : memref<1x40x128xi32, #tpu.memory_space<hbm>> -> memref<40x128xi32, #tpu.memory_space<hbm>>
      %dma_wait3A_296 = arith.constant 0 : i32
      %dma_wait3A_297 = tpu.memref_slice %arg2[%arg1, %add3A_101, %dma_wait3A_296] : memref<16x240x128xi32, #tpu.memory_space<hbm>> -> memref<1x40x128xi32, #tpu.memory_space<hbm>>
      %dma_wait3A_298 = tpu.memref_squeeze %dma_wait3A_297 : memref<1x40x128xi32, #tpu.memory_space<hbm>> -> memref<40x128xi32, #tpu.memory_space<hbm>>
      tpu.wait_dma2 semaphore(%run_scoped3A : memref<!tpu.dma_semaphore, #tpu.memory_space<semaphore_mem>>) src(%dma_wait3A_298 : memref<40x128xi32, #tpu.memory_space<hbm>>) dst(%arg6 : memref<40x128xi32, #tpu.memory_space<vmem>>)
      tpu.yield
    }) : () -> ()
    %scan3A_102 = arith.constant 0 : i32
    %scan3A_103 = arith.constant 0 : i32
    %scan3A_104 = arith.constant 5 : i32
    %scan3A_105 = arith.addi %scan3A_103, %scan3A_104 : i32
    %scan3A_106 = arith.constant 1 : i32
    %scan3A_107 = scf.for %scan3A_288 = %scan3A_103 to %scan3A_105 step %scan3A_106 iter_args(%scan3A_289 = %scan3A_102) -> (i32)  : i32 {
      %mul3A_290 = arith.constant 8 : i32
      %mul3A_291 = arith.muli %scan3A_288, %mul3A_290 : i32
      %add3A_292 = arith.constant 0 : i32
      %add3A_293 = arith.addi %mul3A_291, %add3A_292 : i32
      %dma_start3A = arith.constant 0 : i32
      %dma_start3A_294 = arith.constant 0 : i32
      %dma_start3A_295 = tpu.memref_slice %arg6[%add3A_293, %dma_start3A_294] : memref<40x128xi32, #tpu.memory_space<vmem>> -> memref<1x128xi32, #tpu.memory_space<vmem>>
      %dma_start3A_296 = tpu.memref_squeeze %dma_start3A_295 : memref<1x128xi32, #tpu.memory_space<vmem>> -> memref<128xi32, #tpu.memory_space<vmem>>
      %dma_start3A_297 = arith.constant 0 : i32
      %dma_start3A_298 = arith.constant 0 : i32
      %dma_start3A_299 = tpu.memref_slice %arg5[%dma_start3A_297, %dma_start3A_298] : memref<30720x16xf32, #tpu.memory_space<vmem_shared>> -> memref<30720x16xf32, #tpu.memory_space<vmem_shared>>
      %dma_start3A_300 = tpu.memref_slice %arg8[%dma_start3A] : memref<8x!tpu.dma_semaphore, #tpu.memory_space<semaphore_mem>> -> memref<1x!tpu.dma_semaphore, #tpu.memory_space<semaphore_mem>>
      %dma_start3A_301 = tpu.memref_squeeze %dma_start3A_300 : memref<1x!tpu.dma_semaphore, #tpu.memory_space<semaphore_mem>> -> memref<!tpu.dma_semaphore, #tpu.memory_space<semaphore_mem>>
      tpu.enqueue_indirect_dma source(%arg7 : memref<128x16xf32, #tpu.memory_space<vmem>>) target(%dma_start3A_299 : memref<30720x16xf32, #tpu.memory_space<vmem_shared>>) offsets(%dma_start3A_296 : memref<128xi32, #tpu.memory_space<vmem>>) semaphore(%dma_start3A_301 : memref<!tpu.dma_semaphore, #tpu.memory_space<semaphore_mem>>) {add = true}
      %ge3A = arith.constant 8 : i32
      %ge3A_302 = arith.cmpi sge, %add3A_293, %ge3A : i32
      %convert_element_type3A = arith.extui %ge3A_302 : i1 to i32
      %cond3A = arith.constant 0 : i32
      %cond3A_303 = arith.cmpi ne, %convert_element_type3A, %cond3A : i32
      scf.if %cond3A_303 {
        %sub3A = arith.constant 8 : i32
        %sub3A_431 = arith.subi %add3A_293, %sub3A : i32
        %dma_wait3A_432 = arith.constant 0 : i32
        %dma_wait3A_433 = arith.constant 0 : i32
        %dma_wait3A_434 = tpu.memref_slice %arg6[%sub3A_431, %dma_wait3A_433] : memref<40x128xi32, #tpu.memory_space<vmem>> -> memref<1x128xi32, #tpu.memory_space<vmem>>
        %dma_wait3A_435 = tpu.memref_squeeze %dma_wait3A_434 : memref<1x128xi32, #tpu.memory_space<vmem>> -> memref<128xi32, #tpu.memory_space<vmem>>
        %dma_wait3A_436 = arith.constant 0 : i32
        %dma_wait3A_437 = arith.constant 0 : i32
        %dma_wait3A_438 = tpu.memref_slice %arg5[%dma_wait3A_436, %dma_wait3A_437] : memref<30720x16xf32, #tpu.memory_space<vmem_shared>> -> memref<30720x16xf32, #tpu.memory_space<vmem_shared>>
        %dma_wait3A_439 = tpu.memref_slice %arg8[%dma_wait3A_432] : memref<8x!tpu.dma_semaphore, #tpu.memory_space<semaphore_mem>> -> memref<1x!tpu.dma_semaphore, #tpu.memory_space<semaphore_mem>>
        %dma_wait3A_440 = tpu.memref_squeeze %dma_wait3A_439 : memref<1x!tpu.dma_semaphore, #tpu.memory_space<semaphore_mem>> -> memref<!tpu.dma_semaphore, #tpu.memory_space<semaphore_mem>>
        tpu.wait_indirect_dma semaphore(%dma_wait3A_440 : memref<!tpu.dma_semaphore, #tpu.memory_space<semaphore_mem>>) src(%arg7 : memref<128x16xf32, #tpu.memory_space<vmem>>) dst(%dma_wait3A_438 : memref<30720x16xf32, #tpu.memory_space<vmem_shared>>)
      } else {
      }
      %mul3A_304 = arith.constant 8 : i32
      %mul3A_305 = arith.muli %scan3A_288, %mul3A_304 : i32
      %add3A_306 = arith.constant 1 : i32
      %add3A_307 = arith.addi %mul3A_305, %add3A_306 : i32
      %dma_start3A_308 = arith.constant 1 : i32
      %dma_start3A_309 = arith.constant 0 : i32
      %dma_start3A_310 = tpu.memref_slice %arg6[%add3A_307, %dma_start3A_309] : memref<40x128xi32, #tpu.memory_space<vmem>> -> memref<1x128xi32, #tpu.memory_space<vmem>>
      %dma_start3A_311 = tpu.memref_squeeze %dma_start3A_310 : memref<1x128xi32, #tpu.memory_space<vmem>> -> memref<128xi32, #tpu.memory_space<vmem>>
      %dma_start3A_312 = arith.constant 0 : i32
      %dma_start3A_313 = arith.constant 0 : i32
      %dma_start3A_314 = tpu.memref_slice %arg5[%dma_start3A_312, %dma_start3A_313] : memref<30720x16xf32, #tpu.memory_space<vmem_shared>> -> memref<30720x16xf32, #tpu.memory_space<vmem_shared>>
      %dma_start3A_315 = tpu.memref_slice %arg8[%dma_start3A_308] : memref<8x!tpu.dma_semaphore, #tpu.memory_space<semaphore_mem>> -> memref<1x!tpu.dma_semaphore, #tpu.memory_space<semaphore_mem>>
      %dma_start3A_316 = tpu.memref_squeeze %dma_start3A_315 : memref<1x!tpu.dma_semaphore, #tpu.memory_space<semaphore_mem>> -> memref<!tpu.dma_semaphore, #tpu.memory_space<semaphore_mem>>
      tpu.enqueue_indirect_dma source(%arg7 : memref<128x16xf32, #tpu.memory_space<vmem>>) target(%dma_start3A_314 : memref<30720x16xf32, #tpu.memory_space<vmem_shared>>) offsets(%dma_start3A_311 : memref<128xi32, #tpu.memory_space<vmem>>) semaphore(%dma_start3A_316 : memref<!tpu.dma_semaphore, #tpu.memory_space<semaphore_mem>>) {add = true}
      %ge3A_317 = arith.constant 8 : i32
      %ge3A_318 = arith.cmpi sge, %add3A_307, %ge3A_317 : i32
      %convert_element_type3A_319 = arith.extui %ge3A_318 : i1 to i32
      %cond3A_320 = arith.constant 0 : i32
      %cond3A_321 = arith.cmpi ne, %convert_element_type3A_319, %cond3A_320 : i32
      scf.if %cond3A_321 {
        %sub3A = arith.constant 8 : i32
        %sub3A_431 = arith.subi %add3A_307, %sub3A : i32
        %dma_wait3A_432 = arith.constant 1 : i32
        %dma_wait3A_433 = arith.constant 0 : i32
        %dma_wait3A_434 = tpu.memref_slice %arg6[%sub3A_431, %dma_wait3A_433] : memref<40x128xi32, #tpu.memory_space<vmem>> -> memref<1x128xi32, #tpu.memory_space<vmem>>
        %dma_wait3A_435 = tpu.memref_squeeze %dma_wait3A_434 : memref<1x128xi32, #tpu.memory_space<vmem>> -> memref<128xi32, #tpu.memory_space<vmem>>
        %dma_wait3A_436 = arith.constant 0 : i32
        %dma_wait3A_437 = arith.constant 0 : i32
        %dma_wait3A_438 = tpu.memref_slice %arg5[%dma_wait3A_436, %dma_wait3A_437] : memref<30720x16xf32, #tpu.memory_space<vmem_shared>> -> memref<30720x16xf32, #tpu.memory_space<vmem_shared>>
        %dma_wait3A_439 = tpu.memref_slice %arg8[%dma_wait3A_432] : memref<8x!tpu.dma_semaphore, #tpu.memory_space<semaphore_mem>> -> memref<1x!tpu.dma_semaphore, #tpu.memory_space<semaphore_mem>>
        %dma_wait3A_440 = tpu.memref_squeeze %dma_wait3A_439 : memref<1x!tpu.dma_semaphore, #tpu.memory_space<semaphore_mem>> -> memref<!tpu.dma_semaphore, #tpu.memory_space<semaphore_mem>>
        tpu.wait_indirect_dma semaphore(%dma_wait3A_440 : memref<!tpu.dma_semaphore, #tpu.memory_space<semaphore_mem>>) src(%arg7 : memref<128x16xf32, #tpu.memory_space<vmem>>) dst(%dma_wait3A_438 : memref<30720x16xf32, #tpu.memory_space<vmem_shared>>)
      } else {
      }
      %mul3A_322 = arith.constant 8 : i32
      %mul3A_323 = arith.muli %scan3A_288, %mul3A_322 : i32
      %add3A_324 = arith.constant 2 : i32
      %add3A_325 = arith.addi %mul3A_323, %add3A_324 : i32
      %dma_start3A_326 = arith.constant 2 : i32
      %dma_start3A_327 = arith.constant 0 : i32
      %dma_start3A_328 = tpu.memref_slice %arg6[%add3A_325, %dma_start3A_327] : memref<40x128xi32, #tpu.memory_space<vmem>> -> memref<1x128xi32, #tpu.memory_space<vmem>>
      %dma_start3A_329 = tpu.memref_squeeze %dma_start3A_328 : memref<1x128xi32, #tpu.memory_space<vmem>> -> memref<128xi32, #tpu.memory_space<vmem>>
      %dma_start3A_330 = arith.constant 0 : i32
      %dma_start3A_331 = arith.constant 0 : i32
      %dma_start3A_332 = tpu.memref_slice %arg5[%dma_start3A_330, %dma_start3A_331] : memref<30720x16xf32, #tpu.memory_space<vmem_shared>> -> memref<30720x16xf32, #tpu.memory_space<vmem_shared>>
      %dma_start3A_333 = tpu.memref_slice %arg8[%dma_start3A_326] : memref<8x!tpu.dma_semaphore, #tpu.memory_space<semaphore_mem>> -> memref<1x!tpu.dma_semaphore, #tpu.memory_space<semaphore_mem>>
      %dma_start3A_334 = tpu.memref_squeeze %dma_start3A_333 : memref<1x!tpu.dma_semaphore, #tpu.memory_space<semaphore_mem>> -> memref<!tpu.dma_semaphore, #tpu.memory_space<semaphore_mem>>
      tpu.enqueue_indirect_dma source(%arg7 : memref<128x16xf32, #tpu.memory_space<vmem>>) target(%dma_start3A_332 : memref<30720x16xf32, #tpu.memory_space<vmem_shared>>) offsets(%dma_start3A_329 : memref<128xi32, #tpu.memory_space<vmem>>) semaphore(%dma_start3A_334 : memref<!tpu.dma_semaphore, #tpu.memory_space<semaphore_mem>>) {add = true}
      %ge3A_335 = arith.constant 8 : i32
      %ge3A_336 = arith.cmpi sge, %add3A_325, %ge3A_335 : i32
      %convert_element_type3A_337 = arith.extui %ge3A_336 : i1 to i32
      %cond3A_338 = arith.constant 0 : i32
      %cond3A_339 = arith.cmpi ne, %convert_element_type3A_337, %cond3A_338 : i32
      scf.if %cond3A_339 {
        %sub3A = arith.constant 8 : i32
        %sub3A_431 = arith.subi %add3A_325, %sub3A : i32
        %dma_wait3A_432 = arith.constant 2 : i32
        %dma_wait3A_433 = arith.constant 0 : i32
        %dma_wait3A_434 = tpu.memref_slice %arg6[%sub3A_431, %dma_wait3A_433] : memref<40x128xi32, #tpu.memory_space<vmem>> -> memref<1x128xi32, #tpu.memory_space<vmem>>
        %dma_wait3A_435 = tpu.memref_squeeze %dma_wait3A_434 : memref<1x128xi32, #tpu.memory_space<vmem>> -> memref<128xi32, #tpu.memory_space<vmem>>
        %dma_wait3A_436 = arith.constant 0 : i32
        %dma_wait3A_437 = arith.constant 0 : i32
        %dma_wait3A_438 = tpu.memref_slice %arg5[%dma_wait3A_436, %dma_wait3A_437] : memref<30720x16xf32, #tpu.memory_space<vmem_shared>> -> memref<30720x16xf32, #tpu.memory_space<vmem_shared>>
        %dma_wait3A_439 = tpu.memref_slice %arg8[%dma_wait3A_432] : memref<8x!tpu.dma_semaphore, #tpu.memory_space<semaphore_mem>> -> memref<1x!tpu.dma_semaphore, #tpu.memory_space<semaphore_mem>>
        %dma_wait3A_440 = tpu.memref_squeeze %dma_wait3A_439 : memref<1x!tpu.dma_semaphore, #tpu.memory_space<semaphore_mem>> -> memref<!tpu.dma_semaphore, #tpu.memory_space<semaphore_mem>>
        tpu.wait_indirect_dma semaphore(%dma_wait3A_440 : memref<!tpu.dma_semaphore, #tpu.memory_space<semaphore_mem>>) src(%arg7 : memref<128x16xf32, #tpu.memory_space<vmem>>) dst(%dma_wait3A_438 : memref<30720x16xf32, #tpu.memory_space<vmem_shared>>)
      } else {
      }
      %mul3A_340 = arith.constant 8 : i32
      %mul3A_341 = arith.muli %scan3A_288, %mul3A_340 : i32
      %add3A_342 = arith.constant 3 : i32
      %add3A_343 = arith.addi %mul3A_341, %add3A_342 : i32
      %dma_start3A_344 = arith.constant 3 : i32
      %dma_start3A_345 = arith.constant 0 : i32
      %dma_start3A_346 = tpu.memref_slice %arg6[%add3A_343, %dma_start3A_345] : memref<40x128xi32, #tpu.memory_space<vmem>> -> memref<1x128xi32, #tpu.memory_space<vmem>>
      %dma_start3A_347 = tpu.memref_squeeze %dma_start3A_346 : memref<1x128xi32, #tpu.memory_space<vmem>> -> memref<128xi32, #tpu.memory_space<vmem>>
      %dma_start3A_348 = arith.constant 0 : i32
      %dma_start3A_349 = arith.constant 0 : i32
      %dma_start3A_350 = tpu.memref_slice %arg5[%dma_start3A_348, %dma_start3A_349] : memref<30720x16xf32, #tpu.memory_space<vmem_shared>> -> memref<30720x16xf32, #tpu.memory_space<vmem_shared>>
      %dma_start3A_351 = tpu.memref_slice %arg8[%dma_start3A_344] : memref<8x!tpu.dma_semaphore, #tpu.memory_space<semaphore_mem>> -> memref<1x!tpu.dma_semaphore, #tpu.memory_space<semaphore_mem>>
      %dma_start3A_352 = tpu.memref_squeeze %dma_start3A_351 : memref<1x!tpu.dma_semaphore, #tpu.memory_space<semaphore_mem>> -> memref<!tpu.dma_semaphore, #tpu.memory_space<semaphore_mem>>
      tpu.enqueue_indirect_dma source(%arg7 : memref<128x16xf32, #tpu.memory_space<vmem>>) target(%dma_start3A_350 : memref<30720x16xf32, #tpu.memory_space<vmem_shared>>) offsets(%dma_start3A_347 : memref<128xi32, #tpu.memory_space<vmem>>) semaphore(%dma_start3A_352 : memref<!tpu.dma_semaphore, #tpu.memory_space<semaphore_mem>>) {add = true}
      %ge3A_353 = arith.constant 8 : i32
      %ge3A_354 = arith.cmpi sge, %add3A_343, %ge3A_353 : i32
      %convert_element_type3A_355 = arith.extui %ge3A_354 : i1 to i32
      %cond3A_356 = arith.constant 0 : i32
      %cond3A_357 = arith.cmpi ne, %convert_element_type3A_355, %cond3A_356 : i32
      scf.if %cond3A_357 {
        %sub3A = arith.constant 8 : i32
        %sub3A_431 = arith.subi %add3A_343, %sub3A : i32
        %dma_wait3A_432 = arith.constant 3 : i32
        %dma_wait3A_433 = arith.constant 0 : i32
        %dma_wait3A_434 = tpu.memref_slice %arg6[%sub3A_431, %dma_wait3A_433] : memref<40x128xi32, #tpu.memory_space<vmem>> -> memref<1x128xi32, #tpu.memory_space<vmem>>
        %dma_wait3A_435 = tpu.memref_squeeze %dma_wait3A_434 : memref<1x128xi32, #tpu.memory_space<vmem>> -> memref<128xi32, #tpu.memory_space<vmem>>
        %dma_wait3A_436 = arith.constant 0 : i32
        %dma_wait3A_437 = arith.constant 0 : i32
        %dma_wait3A_438 = tpu.memref_slice %arg5[%dma_wait3A_436, %dma_wait3A_437] : memref<30720x16xf32, #tpu.memory_space<vmem_shared>> -> memref<30720x16xf32, #tpu.memory_space<vmem_shared>>
        %dma_wait3A_439 = tpu.memref_slice %arg8[%dma_wait3A_432] : memref<8x!tpu.dma_semaphore, #tpu.memory_space<semaphore_mem>> -> memref<1x!tpu.dma_semaphore, #tpu.memory_space<semaphore_mem>>
        %dma_wait3A_440 = tpu.memref_squeeze %dma_wait3A_439 : memref<1x!tpu.dma_semaphore, #tpu.memory_space<semaphore_mem>> -> memref<!tpu.dma_semaphore, #tpu.memory_space<semaphore_mem>>
        tpu.wait_indirect_dma semaphore(%dma_wait3A_440 : memref<!tpu.dma_semaphore, #tpu.memory_space<semaphore_mem>>) src(%arg7 : memref<128x16xf32, #tpu.memory_space<vmem>>) dst(%dma_wait3A_438 : memref<30720x16xf32, #tpu.memory_space<vmem_shared>>)
      } else {
      }
      %mul3A_358 = arith.constant 8 : i32
      %mul3A_359 = arith.muli %scan3A_288, %mul3A_358 : i32
      %add3A_360 = arith.constant 4 : i32
      %add3A_361 = arith.addi %mul3A_359, %add3A_360 : i32
      %dma_start3A_362 = arith.constant 4 : i32
      %dma_start3A_363 = arith.constant 0 : i32
      %dma_start3A_364 = tpu.memref_slice %arg6[%add3A_361, %dma_start3A_363] : memref<40x128xi32, #tpu.memory_space<vmem>> -> memref<1x128xi32, #tpu.memory_space<vmem>>
      %dma_start3A_365 = tpu.memref_squeeze %dma_start3A_364 : memref<1x128xi32, #tpu.memory_space<vmem>> -> memref<128xi32, #tpu.memory_space<vmem>>
      %dma_start3A_366 = arith.constant 0 : i32
      %dma_start3A_367 = arith.constant 0 : i32
      %dma_start3A_368 = tpu.memref_slice %arg5[%dma_start3A_366, %dma_start3A_367] : memref<30720x16xf32, #tpu.memory_space<vmem_shared>> -> memref<30720x16xf32, #tpu.memory_space<vmem_shared>>
      %dma_start3A_369 = tpu.memref_slice %arg8[%dma_start3A_362] : memref<8x!tpu.dma_semaphore, #tpu.memory_space<semaphore_mem>> -> memref<1x!tpu.dma_semaphore, #tpu.memory_space<semaphore_mem>>
      %dma_start3A_370 = tpu.memref_squeeze %dma_start3A_369 : memref<1x!tpu.dma_semaphore, #tpu.memory_space<semaphore_mem>> -> memref<!tpu.dma_semaphore, #tpu.memory_space<semaphore_mem>>
      tpu.enqueue_indirect_dma source(%arg7 : memref<128x16xf32, #tpu.memory_space<vmem>>) target(%dma_start3A_368 : memref<30720x16xf32, #tpu.memory_space<vmem_shared>>) offsets(%dma_start3A_365 : memref<128xi32, #tpu.memory_space<vmem>>) semaphore(%dma_start3A_370 : memref<!tpu.dma_semaphore, #tpu.memory_space<semaphore_mem>>) {add = true}
      %ge3A_371 = arith.constant 8 : i32
      %ge3A_372 = arith.cmpi sge, %add3A_361, %ge3A_371 : i32
      %convert_element_type3A_373 = arith.extui %ge3A_372 : i1 to i32
      %cond3A_374 = arith.constant 0 : i32
      %cond3A_375 = arith.cmpi ne, %convert_element_type3A_373, %cond3A_374 : i32
      scf.if %cond3A_375 {
        %sub3A = arith.constant 8 : i32
        %sub3A_431 = arith.subi %add3A_361, %sub3A : i32
        %dma_wait3A_432 = arith.constant 4 : i32
        %dma_wait3A_433 = arith.constant 0 : i32
        %dma_wait3A_434 = tpu.memref_slice %arg6[%sub3A_431, %dma_wait3A_433] : memref<40x128xi32, #tpu.memory_space<vmem>> -> memref<1x128xi32, #tpu.memory_space<vmem>>
        %dma_wait3A_435 = tpu.memref_squeeze %dma_wait3A_434 : memref<1x128xi32, #tpu.memory_space<vmem>> -> memref<128xi32, #tpu.memory_space<vmem>>
        %dma_wait3A_436 = arith.constant 0 : i32
        %dma_wait3A_437 = arith.constant 0 : i32
        %dma_wait3A_438 = tpu.memref_slice %arg5[%dma_wait3A_436, %dma_wait3A_437] : memref<30720x16xf32, #tpu.memory_space<vmem_shared>> -> memref<30720x16xf32, #tpu.memory_space<vmem_shared>>
        %dma_wait3A_439 = tpu.memref_slice %arg8[%dma_wait3A_432] : memref<8x!tpu.dma_semaphore, #tpu.memory_space<semaphore_mem>> -> memref<1x!tpu.dma_semaphore, #tpu.memory_space<semaphore_mem>>
        %dma_wait3A_440 = tpu.memref_squeeze %dma_wait3A_439 : memref<1x!tpu.dma_semaphore, #tpu.memory_space<semaphore_mem>> -> memref<!tpu.dma_semaphore, #tpu.memory_space<semaphore_mem>>
        tpu.wait_indirect_dma semaphore(%dma_wait3A_440 : memref<!tpu.dma_semaphore, #tpu.memory_space<semaphore_mem>>) src(%arg7 : memref<128x16xf32, #tpu.memory_space<vmem>>) dst(%dma_wait3A_438 : memref<30720x16xf32, #tpu.memory_space<vmem_shared>>)
      } else {
      }
      %mul3A_376 = arith.constant 8 : i32
      %mul3A_377 = arith.muli %scan3A_288, %mul3A_376 : i32
      %add3A_378 = arith.constant 5 : i32
      %add3A_379 = arith.addi %mul3A_377, %add3A_378 : i32
      %dma_start3A_380 = arith.constant 5 : i32
      %dma_start3A_381 = arith.constant 0 : i32
      %dma_start3A_382 = tpu.memref_slice %arg6[%add3A_379, %dma_start3A_381] : memref<40x128xi32, #tpu.memory_space<vmem>> -> memref<1x128xi32, #tpu.memory_space<vmem>>
      %dma_start3A_383 = tpu.memref_squeeze %dma_start3A_382 : memref<1x128xi32, #tpu.memory_space<vmem>> -> memref<128xi32, #tpu.memory_space<vmem>>
      %dma_start3A_384 = arith.constant 0 : i32
      %dma_start3A_385 = arith.constant 0 : i32
      %dma_start3A_386 = tpu.memref_slice %arg5[%dma_start3A_384, %dma_start3A_385] : memref<30720x16xf32, #tpu.memory_space<vmem_shared>> -> memref<30720x16xf32, #tpu.memory_space<vmem_shared>>
      %dma_start3A_387 = tpu.memref_slice %arg8[%dma_start3A_380] : memref<8x!tpu.dma_semaphore, #tpu.memory_space<semaphore_mem>> -> memref<1x!tpu.dma_semaphore, #tpu.memory_space<semaphore_mem>>
      %dma_start3A_388 = tpu.memref_squeeze %dma_start3A_387 : memref<1x!tpu.dma_semaphore, #tpu.memory_space<semaphore_mem>> -> memref<!tpu.dma_semaphore, #tpu.memory_space<semaphore_mem>>
      tpu.enqueue_indirect_dma source(%arg7 : memref<128x16xf32, #tpu.memory_space<vmem>>) target(%dma_start3A_386 : memref<30720x16xf32, #tpu.memory_space<vmem_shared>>) offsets(%dma_start3A_383 : memref<128xi32, #tpu.memory_space<vmem>>) semaphore(%dma_start3A_388 : memref<!tpu.dma_semaphore, #tpu.memory_space<semaphore_mem>>) {add = true}
      %ge3A_389 = arith.constant 8 : i32
      %ge3A_390 = arith.cmpi sge, %add3A_379, %ge3A_389 : i32
      %convert_element_type3A_391 = arith.extui %ge3A_390 : i1 to i32
      %cond3A_392 = arith.constant 0 : i32
      %cond3A_393 = arith.cmpi ne, %convert_element_type3A_391, %cond3A_392 : i32
      scf.if %cond3A_393 {
        %sub3A = arith.constant 8 : i32
        %sub3A_431 = arith.subi %add3A_379, %sub3A : i32
        %dma_wait3A_432 = arith.constant 5 : i32
        %dma_wait3A_433 = arith.constant 0 : i32
        %dma_wait3A_434 = tpu.memref_slice %arg6[%sub3A_431, %dma_wait3A_433] : memref<40x128xi32, #tpu.memory_space<vmem>> -> memref<1x128xi32, #tpu.memory_space<vmem>>
        %dma_wait3A_435 = tpu.memref_squeeze %dma_wait3A_434 : memref<1x128xi32, #tpu.memory_space<vmem>> -> memref<128xi32, #tpu.memory_space<vmem>>
        %dma_wait3A_436 = arith.constant 0 : i32
        %dma_wait3A_437 = arith.constant 0 : i32
        %dma_wait3A_438 = tpu.memref_slice %arg5[%dma_wait3A_436, %dma_wait3A_437] : memref<30720x16xf32, #tpu.memory_space<vmem_shared>> -> memref<30720x16xf32, #tpu.memory_space<vmem_shared>>
        %dma_wait3A_439 = tpu.memref_slice %arg8[%dma_wait3A_432] : memref<8x!tpu.dma_semaphore, #tpu.memory_space<semaphore_mem>> -> memref<1x!tpu.dma_semaphore, #tpu.memory_space<semaphore_mem>>
        %dma_wait3A_440 = tpu.memref_squeeze %dma_wait3A_439 : memref<1x!tpu.dma_semaphore, #tpu.memory_space<semaphore_mem>> -> memref<!tpu.dma_semaphore, #tpu.memory_space<semaphore_mem>>
        tpu.wait_indirect_dma semaphore(%dma_wait3A_440 : memref<!tpu.dma_semaphore, #tpu.memory_space<semaphore_mem>>) src(%arg7 : memref<128x16xf32, #tpu.memory_space<vmem>>) dst(%dma_wait3A_438 : memref<30720x16xf32, #tpu.memory_space<vmem_shared>>)
      } else {
      }
      %mul3A_394 = arith.constant 8 : i32
      %mul3A_395 = arith.muli %scan3A_288, %mul3A_394 : i32
      %add3A_396 = arith.constant 6 : i32
      %add3A_397 = arith.addi %mul3A_395, %add3A_396 : i32
      %dma_start3A_398 = arith.constant 6 : i32
      %dma_start3A_399 = arith.constant 0 : i32
      %dma_start3A_400 = tpu.memref_slice %arg6[%add3A_397, %dma_start3A_399] : memref<40x128xi32, #tpu.memory_space<vmem>> -> memref<1x128xi32, #tpu.memory_space<vmem>>
      %dma_start3A_401 = tpu.memref_squeeze %dma_start3A_400 : memref<1x128xi32, #tpu.memory_space<vmem>> -> memref<128xi32, #tpu.memory_space<vmem>>
      %dma_start3A_402 = arith.constant 0 : i32
      %dma_start3A_403 = arith.constant 0 : i32
      %dma_start3A_404 = tpu.memref_slice %arg5[%dma_start3A_402, %dma_start3A_403] : memref<30720x16xf32, #tpu.memory_space<vmem_shared>> -> memref<30720x16xf32, #tpu.memory_space<vmem_shared>>
      %dma_start3A_405 = tpu.memref_slice %arg8[%dma_start3A_398] : memref<8x!tpu.dma_semaphore, #tpu.memory_space<semaphore_mem>> -> memref<1x!tpu.dma_semaphore, #tpu.memory_space<semaphore_mem>>
      %dma_start3A_406 = tpu.memref_squeeze %dma_start3A_405 : memref<1x!tpu.dma_semaphore, #tpu.memory_space<semaphore_mem>> -> memref<!tpu.dma_semaphore, #tpu.memory_space<semaphore_mem>>
      tpu.enqueue_indirect_dma source(%arg7 : memref<128x16xf32, #tpu.memory_space<vmem>>) target(%dma_start3A_404 : memref<30720x16xf32, #tpu.memory_space<vmem_shared>>) offsets(%dma_start3A_401 : memref<128xi32, #tpu.memory_space<vmem>>) semaphore(%dma_start3A_406 : memref<!tpu.dma_semaphore, #tpu.memory_space<semaphore_mem>>) {add = true}
      %ge3A_407 = arith.constant 8 : i32
      %ge3A_408 = arith.cmpi sge, %add3A_397, %ge3A_407 : i32
      %convert_element_type3A_409 = arith.extui %ge3A_408 : i1 to i32
      %cond3A_410 = arith.constant 0 : i32
      %cond3A_411 = arith.cmpi ne, %convert_element_type3A_409, %cond3A_410 : i32
      scf.if %cond3A_411 {
        %sub3A = arith.constant 8 : i32
        %sub3A_431 = arith.subi %add3A_397, %sub3A : i32
        %dma_wait3A_432 = arith.constant 6 : i32
        %dma_wait3A_433 = arith.constant 0 : i32
        %dma_wait3A_434 = tpu.memref_slice %arg6[%sub3A_431, %dma_wait3A_433] : memref<40x128xi32, #tpu.memory_space<vmem>> -> memref<1x128xi32, #tpu.memory_space<vmem>>
        %dma_wait3A_435 = tpu.memref_squeeze %dma_wait3A_434 : memref<1x128xi32, #tpu.memory_space<vmem>> -> memref<128xi32, #tpu.memory_space<vmem>>
        %dma_wait3A_436 = arith.constant 0 : i32
        %dma_wait3A_437 = arith.constant 0 : i32
        %dma_wait3A_438 = tpu.memref_slice %arg5[%dma_wait3A_436, %dma_wait3A_437] : memref<30720x16xf32, #tpu.memory_space<vmem_shared>> -> memref<30720x16xf32, #tpu.memory_space<vmem_shared>>
        %dma_wait3A_439 = tpu.memref_slice %arg8[%dma_wait3A_432] : memref<8x!tpu.dma_semaphore, #tpu.memory_space<semaphore_mem>> -> memref<1x!tpu.dma_semaphore, #tpu.memory_space<semaphore_mem>>
        %dma_wait3A_440 = tpu.memref_squeeze %dma_wait3A_439 : memref<1x!tpu.dma_semaphore, #tpu.memory_space<semaphore_mem>> -> memref<!tpu.dma_semaphore, #tpu.memory_space<semaphore_mem>>
        tpu.wait_indirect_dma semaphore(%dma_wait3A_440 : memref<!tpu.dma_semaphore, #tpu.memory_space<semaphore_mem>>) src(%arg7 : memref<128x16xf32, #tpu.memory_space<vmem>>) dst(%dma_wait3A_438 : memref<30720x16xf32, #tpu.memory_space<vmem_shared>>)
      } else {
      }
      %mul3A_412 = arith.constant 8 : i32
      %mul3A_413 = arith.muli %scan3A_288, %mul3A_412 : i32
      %add3A_414 = arith.constant 7 : i32
      %add3A_415 = arith.addi %mul3A_413, %add3A_414 : i32
      %dma_start3A_416 = arith.constant 7 : i32
      %dma_start3A_417 = arith.constant 0 : i32
      %dma_start3A_418 = tpu.memref_slice %arg6[%add3A_415, %dma_start3A_417] : memref<40x128xi32, #tpu.memory_space<vmem>> -> memref<1x128xi32, #tpu.memory_space<vmem>>
      %dma_start3A_419 = tpu.memref_squeeze %dma_start3A_418 : memref<1x128xi32, #tpu.memory_space<vmem>> -> memref<128xi32, #tpu.memory_space<vmem>>
      %dma_start3A_420 = arith.constant 0 : i32
      %dma_start3A_421 = arith.constant 0 : i32
      %dma_start3A_422 = tpu.memref_slice %arg5[%dma_start3A_420, %dma_start3A_421] : memref<30720x16xf32, #tpu.memory_space<vmem_shared>> -> memref<30720x16xf32, #tpu.memory_space<vmem_shared>>
      %dma_start3A_423 = tpu.memref_slice %arg8[%dma_start3A_416] : memref<8x!tpu.dma_semaphore, #tpu.memory_space<semaphore_mem>> -> memref<1x!tpu.dma_semaphore, #tpu.memory_space<semaphore_mem>>
      %dma_start3A_424 = tpu.memref_squeeze %dma_start3A_423 : memref<1x!tpu.dma_semaphore, #tpu.memory_space<semaphore_mem>> -> memref<!tpu.dma_semaphore, #tpu.memory_space<semaphore_mem>>
      tpu.enqueue_indirect_dma source(%arg7 : memref<128x16xf32, #tpu.memory_space<vmem>>) target(%dma_start3A_422 : memref<30720x16xf32, #tpu.memory_space<vmem_shared>>) offsets(%dma_start3A_419 : memref<128xi32, #tpu.memory_space<vmem>>) semaphore(%dma_start3A_424 : memref<!tpu.dma_semaphore, #tpu.memory_space<semaphore_mem>>) {add = true}
      %ge3A_425 = arith.constant 8 : i32
      %ge3A_426 = arith.cmpi sge, %add3A_415, %ge3A_425 : i32
      %convert_element_type3A_427 = arith.extui %ge3A_426 : i1 to i32
      %cond3A_428 = arith.constant 0 : i32
      %cond3A_429 = arith.cmpi ne, %convert_element_type3A_427, %cond3A_428 : i32
      scf.if %cond3A_429 {
        %sub3A = arith.constant 8 : i32
        %sub3A_431 = arith.subi %add3A_415, %sub3A : i32
        %dma_wait3A_432 = arith.constant 7 : i32
        %dma_wait3A_433 = arith.constant 0 : i32
        %dma_wait3A_434 = tpu.memref_slice %arg6[%sub3A_431, %dma_wait3A_433] : memref<40x128xi32, #tpu.memory_space<vmem>> -> memref<1x128xi32, #tpu.memory_space<vmem>>
        %dma_wait3A_435 = tpu.memref_squeeze %dma_wait3A_434 : memref<1x128xi32, #tpu.memory_space<vmem>> -> memref<128xi32, #tpu.memory_space<vmem>>
        %dma_wait3A_436 = arith.constant 0 : i32
        %dma_wait3A_437 = arith.constant 0 : i32
        %dma_wait3A_438 = tpu.memref_slice %arg5[%dma_wait3A_436, %dma_wait3A_437] : memref<30720x16xf32, #tpu.memory_space<vmem_shared>> -> memref<30720x16xf32, #tpu.memory_space<vmem_shared>>
        %dma_wait3A_439 = tpu.memref_slice %arg8[%dma_wait3A_432] : memref<8x!tpu.dma_semaphore, #tpu.memory_space<semaphore_mem>> -> memref<1x!tpu.dma_semaphore, #tpu.memory_space<semaphore_mem>>
        %dma_wait3A_440 = tpu.memref_squeeze %dma_wait3A_439 : memref<1x!tpu.dma_semaphore, #tpu.memory_space<semaphore_mem>> -> memref<!tpu.dma_semaphore, #tpu.memory_space<semaphore_mem>>
        tpu.wait_indirect_dma semaphore(%dma_wait3A_440 : memref<!tpu.dma_semaphore, #tpu.memory_space<semaphore_mem>>) src(%arg7 : memref<128x16xf32, #tpu.memory_space<vmem>>) dst(%dma_wait3A_438 : memref<30720x16xf32, #tpu.memory_space<vmem_shared>>)
      } else {
      }
      %scan3A_430 = arith.constant 0 : i32
      scf.yield %scan3A_430 : i32
    }
    %scan3A_108 = arith.constant 5 : i32
    %dma_wait3A_109 = arith.constant 32 : i32
    %dma_wait3A_110 = arith.constant 0 : i32
    %dma_wait3A_111 = arith.constant 0 : i32
    %dma_wait3A_112 = tpu.memref_slice %arg6[%dma_wait3A_109, %dma_wait3A_111] : memref<40x128xi32, #tpu.memory_space<vmem>> -> memref<1x128xi32, #tpu.memory_space<vmem>>
    %dma_wait3A_113 = tpu.memref_squeeze %dma_wait3A_112 : memref<1x128xi32, #tpu.memory_space<vmem>> -> memref<128xi32, #tpu.memory_space<vmem>>
    %dma_wait3A_114 = arith.constant 0 : i32
    %dma_wait3A_115 = arith.constant 0 : i32
    %dma_wait3A_116 = tpu.memref_slice %arg5[%dma_wait3A_114, %dma_wait3A_115] : memref<30720x16xf32, #tpu.memory_space<vmem_shared>> -> memref<30720x16xf32, #tpu.memory_space<vmem_shared>>
    %dma_wait3A_117 = tpu.memref_slice %arg8[%dma_wait3A_110] : memref<8x!tpu.dma_semaphore, #tpu.memory_space<semaphore_mem>> -> memref<1x!tpu.dma_semaphore, #tpu.memory_space<semaphore_mem>>
    %dma_wait3A_118 = tpu.memref_squeeze %dma_wait3A_117 : memref<1x!tpu.dma_semaphore, #tpu.memory_space<semaphore_mem>> -> memref<!tpu.dma_semaphore, #tpu.memory_space<semaphore_mem>>
    tpu.wait_indirect_dma semaphore(%dma_wait3A_118 : memref<!tpu.dma_semaphore, #tpu.memory_space<semaphore_mem>>) src(%arg7 : memref<128x16xf32, #tpu.memory_space<vmem>>) dst(%dma_wait3A_116 : memref<30720x16xf32, #tpu.memory_space<vmem_shared>>)
    %dma_wait3A_119 = arith.constant 33 : i32
    %dma_wait3A_120 = arith.constant 1 : i32
    %dma_wait3A_121 = arith.constant 0 : i32
    %dma_wait3A_122 = tpu.memref_slice %arg6[%dma_wait3A_119, %dma_wait3A_121] : memref<40x128xi32, #tpu.memory_space<vmem>> -> memref<1x128xi32, #tpu.memory_space<vmem>>
    %dma_wait3A_123 = tpu.memref_squeeze %dma_wait3A_122 : memref<1x128xi32, #tpu.memory_space<vmem>> -> memref<128xi32, #tpu.memory_space<vmem>>
    %dma_wait3A_124 = arith.constant 0 : i32
    %dma_wait3A_125 = arith.constant 0 : i32
    %dma_wait3A_126 = tpu.memref_slice %arg5[%dma_wait3A_124, %dma_wait3A_125] : memref<30720x16xf32, #tpu.memory_space<vmem_shared>> -> memref<30720x16xf32, #tpu.memory_space<vmem_shared>>
    %dma_wait3A_127 = tpu.memref_slice %arg8[%dma_wait3A_120] : memref<8x!tpu.dma_semaphore, #tpu.memory_space<semaphore_mem>> -> memref<1x!tpu.dma_semaphore, #tpu.memory_space<semaphore_mem>>
    %dma_wait3A_128 = tpu.memref_squeeze %dma_wait3A_127 : memref<1x!tpu.dma_semaphore, #tpu.memory_space<semaphore_mem>> -> memref<!tpu.dma_semaphore, #tpu.memory_space<semaphore_mem>>
    tpu.wait_indirect_dma semaphore(%dma_wait3A_128 : memref<!tpu.dma_semaphore, #tpu.memory_space<semaphore_mem>>) src(%arg7 : memref<128x16xf32, #tpu.memory_space<vmem>>) dst(%dma_wait3A_126 : memref<30720x16xf32, #tpu.memory_space<vmem_shared>>)
    %dma_wait3A_129 = arith.constant 34 : i32
    %dma_wait3A_130 = arith.constant 2 : i32
    %dma_wait3A_131 = arith.constant 0 : i32
    %dma_wait3A_132 = tpu.memref_slice %arg6[%dma_wait3A_129, %dma_wait3A_131] : memref<40x128xi32, #tpu.memory_space<vmem>> -> memref<1x128xi32, #tpu.memory_space<vmem>>
    %dma_wait3A_133 = tpu.memref_squeeze %dma_wait3A_132 : memref<1x128xi32, #tpu.memory_space<vmem>> -> memref<128xi32, #tpu.memory_space<vmem>>
    %dma_wait3A_134 = arith.constant 0 : i32
    %dma_wait3A_135 = arith.constant 0 : i32
    %dma_wait3A_136 = tpu.memref_slice %arg5[%dma_wait3A_134, %dma_wait3A_135] : memref<30720x16xf32, #tpu.memory_space<vmem_shared>> -> memref<30720x16xf32, #tpu.memory_space<vmem_shared>>
    %dma_wait3A_137 = tpu.memref_slice %arg8[%dma_wait3A_130] : memref<8x!tpu.dma_semaphore, #tpu.memory_space<semaphore_mem>> -> memref<1x!tpu.dma_semaphore, #tpu.memory_space<semaphore_mem>>
    %dma_wait3A_138 = tpu.memref_squeeze %dma_wait3A_137 : memref<1x!tpu.dma_semaphore, #tpu.memory_space<semaphore_mem>> -> memref<!tpu.dma_semaphore, #tpu.memory_space<semaphore_mem>>
    tpu.wait_indirect_dma semaphore(%dma_wait3A_138 : memref<!tpu.dma_semaphore, #tpu.memory_space<semaphore_mem>>) src(%arg7 : memref<128x16xf32, #tpu.memory_space<vmem>>) dst(%dma_wait3A_136 : memref<30720x16xf32, #tpu.memory_space<vmem_shared>>)
    %dma_wait3A_139 = arith.constant 35 : i32
    %dma_wait3A_140 = arith.constant 3 : i32
    %dma_wait3A_141 = arith.constant 0 : i32
    %dma_wait3A_142 = tpu.memref_slice %arg6[%dma_wait3A_139, %dma_wait3A_141] : memref<40x128xi32, #tpu.memory_space<vmem>> -> memref<1x128xi32, #tpu.memory_space<vmem>>
    %dma_wait3A_143 = tpu.memref_squeeze %dma_wait3A_142 : memref<1x128xi32, #tpu.memory_space<vmem>> -> memref<128xi32, #tpu.memory_space<vmem>>
    %dma_wait3A_144 = arith.constant 0 : i32
    %dma_wait3A_145 = arith.constant 0 : i32
    %dma_wait3A_146 = tpu.memref_slice %arg5[%dma_wait3A_144, %dma_wait3A_145] : memref<30720x16xf32, #tpu.memory_space<vmem_shared>> -> memref<30720x16xf32, #tpu.memory_space<vmem_shared>>
    %dma_wait3A_147 = tpu.memref_slice %arg8[%dma_wait3A_140] : memref<8x!tpu.dma_semaphore, #tpu.memory_space<semaphore_mem>> -> memref<1x!tpu.dma_semaphore, #tpu.memory_space<semaphore_mem>>
    %dma_wait3A_148 = tpu.memref_squeeze %dma_wait3A_147 : memref<1x!tpu.dma_semaphore, #tpu.memory_space<semaphore_mem>> -> memref<!tpu.dma_semaphore, #tpu.memory_space<semaphore_mem>>
    tpu.wait_indirect_dma semaphore(%dma_wait3A_148 : memref<!tpu.dma_semaphore, #tpu.memory_space<semaphore_mem>>) src(%arg7 : memref<128x16xf32, #tpu.memory_space<vmem>>) dst(%dma_wait3A_146 : memref<30720x16xf32, #tpu.memory_space<vmem_shared>>)
    %dma_wait3A_149 = arith.constant 36 : i32
    %dma_wait3A_150 = arith.constant 4 : i32
    %dma_wait3A_151 = arith.constant 0 : i32
    %dma_wait3A_152 = tpu.memref_slice %arg6[%dma_wait3A_149, %dma_wait3A_151] : memref<40x128xi32, #tpu.memory_space<vmem>> -> memref<1x128xi32, #tpu.memory_space<vmem>>
    %dma_wait3A_153 = tpu.memref_squeeze %dma_wait3A_152 : memref<1x128xi32, #tpu.memory_space<vmem>> -> memref<128xi32, #tpu.memory_space<vmem>>
    %dma_wait3A_154 = arith.constant 0 : i32
    %dma_wait3A_155 = arith.constant 0 : i32
    %dma_wait3A_156 = tpu.memref_slice %arg5[%dma_wait3A_154, %dma_wait3A_155] : memref<30720x16xf32, #tpu.memory_space<vmem_shared>> -> memref<30720x16xf32, #tpu.memory_space<vmem_shared>>
    %dma_wait3A_157 = tpu.memref_slice %arg8[%dma_wait3A_150] : memref<8x!tpu.dma_semaphore, #tpu.memory_space<semaphore_mem>> -> memref<1x!tpu.dma_semaphore, #tpu.memory_space<semaphore_mem>>
    %dma_wait3A_158 = tpu.memref_squeeze %dma_wait3A_157 : memref<1x!tpu.dma_semaphore, #tpu.memory_space<semaphore_mem>> -> memref<!tpu.dma_semaphore, #tpu.memory_space<semaphore_mem>>
    tpu.wait_indirect_dma semaphore(%dma_wait3A_158 : memref<!tpu.dma_semaphore, #tpu.memory_space<semaphore_mem>>) src(%arg7 : memref<128x16xf32, #tpu.memory_space<vmem>>) dst(%dma_wait3A_156 : memref<30720x16xf32, #tpu.memory_space<vmem_shared>>)
    %dma_wait3A_159 = arith.constant 37 : i32
    %dma_wait3A_160 = arith.constant 5 : i32
    %dma_wait3A_161 = arith.constant 0 : i32
    %dma_wait3A_162 = tpu.memref_slice %arg6[%dma_wait3A_159, %dma_wait3A_161] : memref<40x128xi32, #tpu.memory_space<vmem>> -> memref<1x128xi32, #tpu.memory_space<vmem>>
    %dma_wait3A_163 = tpu.memref_squeeze %dma_wait3A_162 : memref<1x128xi32, #tpu.memory_space<vmem>> -> memref<128xi32, #tpu.memory_space<vmem>>
    %dma_wait3A_164 = arith.constant 0 : i32
    %dma_wait3A_165 = arith.constant 0 : i32
    %dma_wait3A_166 = tpu.memref_slice %arg5[%dma_wait3A_164, %dma_wait3A_165] : memref<30720x16xf32, #tpu.memory_space<vmem_shared>> -> memref<30720x16xf32, #tpu.memory_space<vmem_shared>>
    %dma_wait3A_167 = tpu.memref_slice %arg8[%dma_wait3A_160] : memref<8x!tpu.dma_semaphore, #tpu.memory_space<semaphore_mem>> -> memref<1x!tpu.dma_semaphore, #tpu.memory_space<semaphore_mem>>
    %dma_wait3A_168 = tpu.memref_squeeze %dma_wait3A_167 : memref<1x!tpu.dma_semaphore, #tpu.memory_space<semaphore_mem>> -> memref<!tpu.dma_semaphore, #tpu.memory_space<semaphore_mem>>
    tpu.wait_indirect_dma semaphore(%dma_wait3A_168 : memref<!tpu.dma_semaphore, #tpu.memory_space<semaphore_mem>>) src(%arg7 : memref<128x16xf32, #tpu.memory_space<vmem>>) dst(%dma_wait3A_166 : memref<30720x16xf32, #tpu.memory_space<vmem_shared>>)
    %dma_wait3A_169 = arith.constant 38 : i32
    %dma_wait3A_170 = arith.constant 6 : i32
    %dma_wait3A_171 = arith.constant 0 : i32
    %dma_wait3A_172 = tpu.memref_slice %arg6[%dma_wait3A_169, %dma_wait3A_171] : memref<40x128xi32, #tpu.memory_space<vmem>> -> memref<1x128xi32, #tpu.memory_space<vmem>>
    %dma_wait3A_173 = tpu.memref_squeeze %dma_wait3A_172 : memref<1x128xi32, #tpu.memory_space<vmem>> -> memref<128xi32, #tpu.memory_space<vmem>>
    %dma_wait3A_174 = arith.constant 0 : i32
    %dma_wait3A_175 = arith.constant 0 : i32
    %dma_wait3A_176 = tpu.memref_slice %arg5[%dma_wait3A_174, %dma_wait3A_175] : memref<30720x16xf32, #tpu.memory_space<vmem_shared>> -> memref<30720x16xf32, #tpu.memory_space<vmem_shared>>
    %dma_wait3A_177 = tpu.memref_slice %arg8[%dma_wait3A_170] : memref<8x!tpu.dma_semaphore, #tpu.memory_space<semaphore_mem>> -> memref<1x!tpu.dma_semaphore, #tpu.memory_space<semaphore_mem>>
    %dma_wait3A_178 = tpu.memref_squeeze %dma_wait3A_177 : memref<1x!tpu.dma_semaphore, #tpu.memory_space<semaphore_mem>> -> memref<!tpu.dma_semaphore, #tpu.memory_space<semaphore_mem>>
    tpu.wait_indirect_dma semaphore(%dma_wait3A_178 : memref<!tpu.dma_semaphore, #tpu.memory_space<semaphore_mem>>) src(%arg7 : memref<128x16xf32, #tpu.memory_space<vmem>>) dst(%dma_wait3A_176 : memref<30720x16xf32, #tpu.memory_space<vmem_shared>>)
    %dma_wait3A_179 = arith.constant 39 : i32
    %dma_wait3A_180 = arith.constant 7 : i32
    %dma_wait3A_181 = arith.constant 0 : i32
    %dma_wait3A_182 = tpu.memref_slice %arg6[%dma_wait3A_179, %dma_wait3A_181] : memref<40x128xi32, #tpu.memory_space<vmem>> -> memref<1x128xi32, #tpu.memory_space<vmem>>
    %dma_wait3A_183 = tpu.memref_squeeze %dma_wait3A_182 : memref<1x128xi32, #tpu.memory_space<vmem>> -> memref<128xi32, #tpu.memory_space<vmem>>
    %dma_wait3A_184 = arith.constant 0 : i32
    %dma_wait3A_185 = arith.constant 0 : i32
    %dma_wait3A_186 = tpu.memref_slice %arg5[%dma_wait3A_184, %dma_wait3A_185] : memref<30720x16xf32, #tpu.memory_space<vmem_shared>> -> memref<30720x16xf32, #tpu.memory_space<vmem_shared>>
    %dma_wait3A_187 = tpu.memref_slice %arg8[%dma_wait3A_180] : memref<8x!tpu.dma_semaphore, #tpu.memory_space<semaphore_mem>> -> memref<1x!tpu.dma_semaphore, #tpu.memory_space<semaphore_mem>>
    %dma_wait3A_188 = tpu.memref_squeeze %dma_wait3A_187 : memref<1x!tpu.dma_semaphore, #tpu.memory_space<semaphore_mem>> -> memref<!tpu.dma_semaphore, #tpu.memory_space<semaphore_mem>>
    tpu.wait_indirect_dma semaphore(%dma_wait3A_188 : memref<!tpu.dma_semaphore, #tpu.memory_space<semaphore_mem>>) src(%arg7 : memref<128x16xf32, #tpu.memory_space<vmem>>) dst(%dma_wait3A_186 : memref<30720x16xf32, #tpu.memory_space<vmem_shared>>)
    %mul3A_189 = arith.constant 120 : i32
    %mul3A_190 = arith.muli %arg0, %mul3A_189 : i32
    %add3A_191 = arith.constant 80 : i32
    %add3A_192 = arith.addi %mul3A_190, %add3A_191 : i32
    "tpu.region"() ({
      %run_scoped3A = tpu.sem_alloc : memref<!tpu.dma_semaphore, #tpu.memory_space<semaphore_mem>>
      %dma_start3A = arith.constant 0 : i32
      %dma_start3A_288 = tpu.memref_slice %arg2[%arg1, %add3A_192, %dma_start3A] : memref<16x240x128xi32, #tpu.memory_space<hbm>> -> memref<1x40x128xi32, #tpu.memory_space<hbm>>
      %dma_start3A_289 = tpu.memref_squeeze %dma_start3A_288 : memref<1x40x128xi32, #tpu.memory_space<hbm>> -> memref<40x128xi32, #tpu.memory_space<hbm>>
      %dma_start3A_290 = arith.constant 0 : i32
      %dma_start3A_291 = tpu.memref_slice %arg2[%arg1, %add3A_192, %dma_start3A_290] : memref<16x240x128xi32, #tpu.memory_space<hbm>> -> memref<1x40x128xi32, #tpu.memory_space<hbm>>
      %dma_start3A_292 = tpu.memref_squeeze %dma_start3A_291 : memref<1x40x128xi32, #tpu.memory_space<hbm>> -> memref<40x128xi32, #tpu.memory_space<hbm>>
      tpu.enqueue_dma source(%dma_start3A_292 : memref<40x128xi32, #tpu.memory_space<hbm>>) target(%arg6 : memref<40x128xi32, #tpu.memory_space<vmem>>) target_semaphore(%run_scoped3A : memref<!tpu.dma_semaphore, #tpu.memory_space<semaphore_mem>>)
      %dma_wait3A_293 = arith.constant 0 : i32
      %dma_wait3A_294 = tpu.memref_slice %arg2[%arg1, %add3A_192, %dma_wait3A_293] : memref<16x240x128xi32, #tpu.memory_space<hbm>> -> memref<1x40x128xi32, #tpu.memory_space<hbm>>
      %dma_wait3A_295 = tpu.memref_squeeze %dma_wait3A_294 : memref<1x40x128xi32, #tpu.memory_space<hbm>> -> memref<40x128xi32, #tpu.memory_space<hbm>>
      %dma_wait3A_296 = arith.constant 0 : i32
      %dma_wait3A_297 = tpu.memref_slice %arg2[%arg1, %add3A_192, %dma_wait3A_296] : memref<16x240x128xi32, #tpu.memory_space<hbm>> -> memref<1x40x128xi32, #tpu.memory_space<hbm>>
      %dma_wait3A_298 = tpu.memref_squeeze %dma_wait3A_297 : memref<1x40x128xi32, #tpu.memory_space<hbm>> -> memref<40x128xi32, #tpu.memory_space<hbm>>
      tpu.wait_dma2 semaphore(%run_scoped3A : memref<!tpu.dma_semaphore, #tpu.memory_space<semaphore_mem>>) src(%dma_wait3A_298 : memref<40x128xi32, #tpu.memory_space<hbm>>) dst(%arg6 : memref<40x128xi32, #tpu.memory_space<vmem>>)
      tpu.yield
    }) : () -> ()
    %scan3A_193 = arith.constant 0 : i32
    %scan3A_194 = arith.constant 0 : i32
    %scan3A_195 = arith.constant 5 : i32
    %scan3A_196 = arith.addi %scan3A_194, %scan3A_195 : i32
    %scan3A_197 = arith.constant 1 : i32
    %scan3A_198 = scf.for %scan3A_288 = %scan3A_194 to %scan3A_196 step %scan3A_197 iter_args(%scan3A_289 = %scan3A_193) -> (i32)  : i32 {
      %mul3A_290 = arith.constant 8 : i32
      %mul3A_291 = arith.muli %scan3A_288, %mul3A_290 : i32
      %add3A_292 = arith.constant 0 : i32
      %add3A_293 = arith.addi %mul3A_291, %add3A_292 : i32
      %dma_start3A = arith.constant 0 : i32
      %dma_start3A_294 = arith.constant 0 : i32
      %dma_start3A_295 = tpu.memref_slice %arg6[%add3A_293, %dma_start3A_294] : memref<40x128xi32, #tpu.memory_space<vmem>> -> memref<1x128xi32, #tpu.memory_space<vmem>>
      %dma_start3A_296 = tpu.memref_squeeze %dma_start3A_295 : memref<1x128xi32, #tpu.memory_space<vmem>> -> memref<128xi32, #tpu.memory_space<vmem>>
      %dma_start3A_297 = arith.constant 0 : i32
      %dma_start3A_298 = arith.constant 0 : i32
      %dma_start3A_299 = tpu.memref_slice %arg5[%dma_start3A_297, %dma_start3A_298] : memref<30720x16xf32, #tpu.memory_space<vmem_shared>> -> memref<30720x16xf32, #tpu.memory_space<vmem_shared>>
      %dma_start3A_300 = tpu.memref_slice %arg8[%dma_start3A] : memref<8x!tpu.dma_semaphore, #tpu.memory_space<semaphore_mem>> -> memref<1x!tpu.dma_semaphore, #tpu.memory_space<semaphore_mem>>
      %dma_start3A_301 = tpu.memref_squeeze %dma_start3A_300 : memref<1x!tpu.dma_semaphore, #tpu.memory_space<semaphore_mem>> -> memref<!tpu.dma_semaphore, #tpu.memory_space<semaphore_mem>>
      tpu.enqueue_indirect_dma source(%arg7 : memref<128x16xf32, #tpu.memory_space<vmem>>) target(%dma_start3A_299 : memref<30720x16xf32, #tpu.memory_space<vmem_shared>>) offsets(%dma_start3A_296 : memref<128xi32, #tpu.memory_space<vmem>>) semaphore(%dma_start3A_301 : memref<!tpu.dma_semaphore, #tpu.memory_space<semaphore_mem>>) {add = true}
      %ge3A = arith.constant 8 : i32
      %ge3A_302 = arith.cmpi sge, %add3A_293, %ge3A : i32
      %convert_element_type3A = arith.extui %ge3A_302 : i1 to i32
      %cond3A = arith.constant 0 : i32
      %cond3A_303 = arith.cmpi ne, %convert_element_type3A, %cond3A : i32
      scf.if %cond3A_303 {
        %sub3A = arith.constant 8 : i32
        %sub3A_431 = arith.subi %add3A_293, %sub3A : i32
        %dma_wait3A_432 = arith.constant 0 : i32
        %dma_wait3A_433 = arith.constant 0 : i32
        %dma_wait3A_434 = tpu.memref_slice %arg6[%sub3A_431, %dma_wait3A_433] : memref<40x128xi32, #tpu.memory_space<vmem>> -> memref<1x128xi32, #tpu.memory_space<vmem>>
        %dma_wait3A_435 = tpu.memref_squeeze %dma_wait3A_434 : memref<1x128xi32, #tpu.memory_space<vmem>> -> memref<128xi32, #tpu.memory_space<vmem>>
        %dma_wait3A_436 = arith.constant 0 : i32
        %dma_wait3A_437 = arith.constant 0 : i32
        %dma_wait3A_438 = tpu.memref_slice %arg5[%dma_wait3A_436, %dma_wait3A_437] : memref<30720x16xf32, #tpu.memory_space<vmem_shared>> -> memref<30720x16xf32, #tpu.memory_space<vmem_shared>>
        %dma_wait3A_439 = tpu.memref_slice %arg8[%dma_wait3A_432] : memref<8x!tpu.dma_semaphore, #tpu.memory_space<semaphore_mem>> -> memref<1x!tpu.dma_semaphore, #tpu.memory_space<semaphore_mem>>
        %dma_wait3A_440 = tpu.memref_squeeze %dma_wait3A_439 : memref<1x!tpu.dma_semaphore, #tpu.memory_space<semaphore_mem>> -> memref<!tpu.dma_semaphore, #tpu.memory_space<semaphore_mem>>
        tpu.wait_indirect_dma semaphore(%dma_wait3A_440 : memref<!tpu.dma_semaphore, #tpu.memory_space<semaphore_mem>>) src(%arg7 : memref<128x16xf32, #tpu.memory_space<vmem>>) dst(%dma_wait3A_438 : memref<30720x16xf32, #tpu.memory_space<vmem_shared>>)
      } else {
      }
      %mul3A_304 = arith.constant 8 : i32
      %mul3A_305 = arith.muli %scan3A_288, %mul3A_304 : i32
      %add3A_306 = arith.constant 1 : i32
      %add3A_307 = arith.addi %mul3A_305, %add3A_306 : i32
      %dma_start3A_308 = arith.constant 1 : i32
      %dma_start3A_309 = arith.constant 0 : i32
      %dma_start3A_310 = tpu.memref_slice %arg6[%add3A_307, %dma_start3A_309] : memref<40x128xi32, #tpu.memory_space<vmem>> -> memref<1x128xi32, #tpu.memory_space<vmem>>
      %dma_start3A_311 = tpu.memref_squeeze %dma_start3A_310 : memref<1x128xi32, #tpu.memory_space<vmem>> -> memref<128xi32, #tpu.memory_space<vmem>>
      %dma_start3A_312 = arith.constant 0 : i32
      %dma_start3A_313 = arith.constant 0 : i32
      %dma_start3A_314 = tpu.memref_slice %arg5[%dma_start3A_312, %dma_start3A_313] : memref<30720x16xf32, #tpu.memory_space<vmem_shared>> -> memref<30720x16xf32, #tpu.memory_space<vmem_shared>>
      %dma_start3A_315 = tpu.memref_slice %arg8[%dma_start3A_308] : memref<8x!tpu.dma_semaphore, #tpu.memory_space<semaphore_mem>> -> memref<1x!tpu.dma_semaphore, #tpu.memory_space<semaphore_mem>>
      %dma_start3A_316 = tpu.memref_squeeze %dma_start3A_315 : memref<1x!tpu.dma_semaphore, #tpu.memory_space<semaphore_mem>> -> memref<!tpu.dma_semaphore, #tpu.memory_space<semaphore_mem>>
      tpu.enqueue_indirect_dma source(%arg7 : memref<128x16xf32, #tpu.memory_space<vmem>>) target(%dma_start3A_314 : memref<30720x16xf32, #tpu.memory_space<vmem_shared>>) offsets(%dma_start3A_311 : memref<128xi32, #tpu.memory_space<vmem>>) semaphore(%dma_start3A_316 : memref<!tpu.dma_semaphore, #tpu.memory_space<semaphore_mem>>) {add = true}
      %ge3A_317 = arith.constant 8 : i32
      %ge3A_318 = arith.cmpi sge, %add3A_307, %ge3A_317 : i32
      %convert_element_type3A_319 = arith.extui %ge3A_318 : i1 to i32
      %cond3A_320 = arith.constant 0 : i32
      %cond3A_321 = arith.cmpi ne, %convert_element_type3A_319, %cond3A_320 : i32
      scf.if %cond3A_321 {
        %sub3A = arith.constant 8 : i32
        %sub3A_431 = arith.subi %add3A_307, %sub3A : i32
        %dma_wait3A_432 = arith.constant 1 : i32
        %dma_wait3A_433 = arith.constant 0 : i32
        %dma_wait3A_434 = tpu.memref_slice %arg6[%sub3A_431, %dma_wait3A_433] : memref<40x128xi32, #tpu.memory_space<vmem>> -> memref<1x128xi32, #tpu.memory_space<vmem>>
        %dma_wait3A_435 = tpu.memref_squeeze %dma_wait3A_434 : memref<1x128xi32, #tpu.memory_space<vmem>> -> memref<128xi32, #tpu.memory_space<vmem>>
        %dma_wait3A_436 = arith.constant 0 : i32
        %dma_wait3A_437 = arith.constant 0 : i32
        %dma_wait3A_438 = tpu.memref_slice %arg5[%dma_wait3A_436, %dma_wait3A_437] : memref<30720x16xf32, #tpu.memory_space<vmem_shared>> -> memref<30720x16xf32, #tpu.memory_space<vmem_shared>>
        %dma_wait3A_439 = tpu.memref_slice %arg8[%dma_wait3A_432] : memref<8x!tpu.dma_semaphore, #tpu.memory_space<semaphore_mem>> -> memref<1x!tpu.dma_semaphore, #tpu.memory_space<semaphore_mem>>
        %dma_wait3A_440 = tpu.memref_squeeze %dma_wait3A_439 : memref<1x!tpu.dma_semaphore, #tpu.memory_space<semaphore_mem>> -> memref<!tpu.dma_semaphore, #tpu.memory_space<semaphore_mem>>
        tpu.wait_indirect_dma semaphore(%dma_wait3A_440 : memref<!tpu.dma_semaphore, #tpu.memory_space<semaphore_mem>>) src(%arg7 : memref<128x16xf32, #tpu.memory_space<vmem>>) dst(%dma_wait3A_438 : memref<30720x16xf32, #tpu.memory_space<vmem_shared>>)
      } else {
      }
      %mul3A_322 = arith.constant 8 : i32
      %mul3A_323 = arith.muli %scan3A_288, %mul3A_322 : i32
      %add3A_324 = arith.constant 2 : i32
      %add3A_325 = arith.addi %mul3A_323, %add3A_324 : i32
      %dma_start3A_326 = arith.constant 2 : i32
      %dma_start3A_327 = arith.constant 0 : i32
      %dma_start3A_328 = tpu.memref_slice %arg6[%add3A_325, %dma_start3A_327] : memref<40x128xi32, #tpu.memory_space<vmem>> -> memref<1x128xi32, #tpu.memory_space<vmem>>
      %dma_start3A_329 = tpu.memref_squeeze %dma_start3A_328 : memref<1x128xi32, #tpu.memory_space<vmem>> -> memref<128xi32, #tpu.memory_space<vmem>>
      %dma_start3A_330 = arith.constant 0 : i32
      %dma_start3A_331 = arith.constant 0 : i32
      %dma_start3A_332 = tpu.memref_slice %arg5[%dma_start3A_330, %dma_start3A_331] : memref<30720x16xf32, #tpu.memory_space<vmem_shared>> -> memref<30720x16xf32, #tpu.memory_space<vmem_shared>>
      %dma_start3A_333 = tpu.memref_slice %arg8[%dma_start3A_326] : memref<8x!tpu.dma_semaphore, #tpu.memory_space<semaphore_mem>> -> memref<1x!tpu.dma_semaphore, #tpu.memory_space<semaphore_mem>>
      %dma_start3A_334 = tpu.memref_squeeze %dma_start3A_333 : memref<1x!tpu.dma_semaphore, #tpu.memory_space<semaphore_mem>> -> memref<!tpu.dma_semaphore, #tpu.memory_space<semaphore_mem>>
      tpu.enqueue_indirect_dma source(%arg7 : memref<128x16xf32, #tpu.memory_space<vmem>>) target(%dma_start3A_332 : memref<30720x16xf32, #tpu.memory_space<vmem_shared>>) offsets(%dma_start3A_329 : memref<128xi32, #tpu.memory_space<vmem>>) semaphore(%dma_start3A_334 : memref<!tpu.dma_semaphore, #tpu.memory_space<semaphore_mem>>) {add = true}
      %ge3A_335 = arith.constant 8 : i32
      %ge3A_336 = arith.cmpi sge, %add3A_325, %ge3A_335 : i32
      %convert_element_type3A_337 = arith.extui %ge3A_336 : i1 to i32
      %cond3A_338 = arith.constant 0 : i32
      %cond3A_339 = arith.cmpi ne, %convert_element_type3A_337, %cond3A_338 : i32
      scf.if %cond3A_339 {
        %sub3A = arith.constant 8 : i32
        %sub3A_431 = arith.subi %add3A_325, %sub3A : i32
        %dma_wait3A_432 = arith.constant 2 : i32
        %dma_wait3A_433 = arith.constant 0 : i32
        %dma_wait3A_434 = tpu.memref_slice %arg6[%sub3A_431, %dma_wait3A_433] : memref<40x128xi32, #tpu.memory_space<vmem>> -> memref<1x128xi32, #tpu.memory_space<vmem>>
        %dma_wait3A_435 = tpu.memref_squeeze %dma_wait3A_434 : memref<1x128xi32, #tpu.memory_space<vmem>> -> memref<128xi32, #tpu.memory_space<vmem>>
        %dma_wait3A_436 = arith.constant 0 : i32
        %dma_wait3A_437 = arith.constant 0 : i32
        %dma_wait3A_438 = tpu.memref_slice %arg5[%dma_wait3A_436, %dma_wait3A_437] : memref<30720x16xf32, #tpu.memory_space<vmem_shared>> -> memref<30720x16xf32, #tpu.memory_space<vmem_shared>>
        %dma_wait3A_439 = tpu.memref_slice %arg8[%dma_wait3A_432] : memref<8x!tpu.dma_semaphore, #tpu.memory_space<semaphore_mem>> -> memref<1x!tpu.dma_semaphore, #tpu.memory_space<semaphore_mem>>
        %dma_wait3A_440 = tpu.memref_squeeze %dma_wait3A_439 : memref<1x!tpu.dma_semaphore, #tpu.memory_space<semaphore_mem>> -> memref<!tpu.dma_semaphore, #tpu.memory_space<semaphore_mem>>
        tpu.wait_indirect_dma semaphore(%dma_wait3A_440 : memref<!tpu.dma_semaphore, #tpu.memory_space<semaphore_mem>>) src(%arg7 : memref<128x16xf32, #tpu.memory_space<vmem>>) dst(%dma_wait3A_438 : memref<30720x16xf32, #tpu.memory_space<vmem_shared>>)
      } else {
      }
      %mul3A_340 = arith.constant 8 : i32
      %mul3A_341 = arith.muli %scan3A_288, %mul3A_340 : i32
      %add3A_342 = arith.constant 3 : i32
      %add3A_343 = arith.addi %mul3A_341, %add3A_342 : i32
      %dma_start3A_344 = arith.constant 3 : i32
      %dma_start3A_345 = arith.constant 0 : i32
      %dma_start3A_346 = tpu.memref_slice %arg6[%add3A_343, %dma_start3A_345] : memref<40x128xi32, #tpu.memory_space<vmem>> -> memref<1x128xi32, #tpu.memory_space<vmem>>
      %dma_start3A_347 = tpu.memref_squeeze %dma_start3A_346 : memref<1x128xi32, #tpu.memory_space<vmem>> -> memref<128xi32, #tpu.memory_space<vmem>>
      %dma_start3A_348 = arith.constant 0 : i32
      %dma_start3A_349 = arith.constant 0 : i32
      %dma_start3A_350 = tpu.memref_slice %arg5[%dma_start3A_348, %dma_start3A_349] : memref<30720x16xf32, #tpu.memory_space<vmem_shared>> -> memref<30720x16xf32, #tpu.memory_space<vmem_shared>>
      %dma_start3A_351 = tpu.memref_slice %arg8[%dma_start3A_344] : memref<8x!tpu.dma_semaphore, #tpu.memory_space<semaphore_mem>> -> memref<1x!tpu.dma_semaphore, #tpu.memory_space<semaphore_mem>>
      %dma_start3A_352 = tpu.memref_squeeze %dma_start3A_351 : memref<1x!tpu.dma_semaphore, #tpu.memory_space<semaphore_mem>> -> memref<!tpu.dma_semaphore, #tpu.memory_space<semaphore_mem>>
      tpu.enqueue_indirect_dma source(%arg7 : memref<128x16xf32, #tpu.memory_space<vmem>>) target(%dma_start3A_350 : memref<30720x16xf32, #tpu.memory_space<vmem_shared>>) offsets(%dma_start3A_347 : memref<128xi32, #tpu.memory_space<vmem>>) semaphore(%dma_start3A_352 : memref<!tpu.dma_semaphore, #tpu.memory_space<semaphore_mem>>) {add = true}
      %ge3A_353 = arith.constant 8 : i32
      %ge3A_354 = arith.cmpi sge, %add3A_343, %ge3A_353 : i32
      %convert_element_type3A_355 = arith.extui %ge3A_354 : i1 to i32
      %cond3A_356 = arith.constant 0 : i32
      %cond3A_357 = arith.cmpi ne, %convert_element_type3A_355, %cond3A_356 : i32
      scf.if %cond3A_357 {
        %sub3A = arith.constant 8 : i32
        %sub3A_431 = arith.subi %add3A_343, %sub3A : i32
        %dma_wait3A_432 = arith.constant 3 : i32
        %dma_wait3A_433 = arith.constant 0 : i32
        %dma_wait3A_434 = tpu.memref_slice %arg6[%sub3A_431, %dma_wait3A_433] : memref<40x128xi32, #tpu.memory_space<vmem>> -> memref<1x128xi32, #tpu.memory_space<vmem>>
        %dma_wait3A_435 = tpu.memref_squeeze %dma_wait3A_434 : memref<1x128xi32, #tpu.memory_space<vmem>> -> memref<128xi32, #tpu.memory_space<vmem>>
        %dma_wait3A_436 = arith.constant 0 : i32
        %dma_wait3A_437 = arith.constant 0 : i32
        %dma_wait3A_438 = tpu.memref_slice %arg5[%dma_wait3A_436, %dma_wait3A_437] : memref<30720x16xf32, #tpu.memory_space<vmem_shared>> -> memref<30720x16xf32, #tpu.memory_space<vmem_shared>>
        %dma_wait3A_439 = tpu.memref_slice %arg8[%dma_wait3A_432] : memref<8x!tpu.dma_semaphore, #tpu.memory_space<semaphore_mem>> -> memref<1x!tpu.dma_semaphore, #tpu.memory_space<semaphore_mem>>
        %dma_wait3A_440 = tpu.memref_squeeze %dma_wait3A_439 : memref<1x!tpu.dma_semaphore, #tpu.memory_space<semaphore_mem>> -> memref<!tpu.dma_semaphore, #tpu.memory_space<semaphore_mem>>
        tpu.wait_indirect_dma semaphore(%dma_wait3A_440 : memref<!tpu.dma_semaphore, #tpu.memory_space<semaphore_mem>>) src(%arg7 : memref<128x16xf32, #tpu.memory_space<vmem>>) dst(%dma_wait3A_438 : memref<30720x16xf32, #tpu.memory_space<vmem_shared>>)
      } else {
      }
      %mul3A_358 = arith.constant 8 : i32
      %mul3A_359 = arith.muli %scan3A_288, %mul3A_358 : i32
      %add3A_360 = arith.constant 4 : i32
      %add3A_361 = arith.addi %mul3A_359, %add3A_360 : i32
      %dma_start3A_362 = arith.constant 4 : i32
      %dma_start3A_363 = arith.constant 0 : i32
      %dma_start3A_364 = tpu.memref_slice %arg6[%add3A_361, %dma_start3A_363] : memref<40x128xi32, #tpu.memory_space<vmem>> -> memref<1x128xi32, #tpu.memory_space<vmem>>
      %dma_start3A_365 = tpu.memref_squeeze %dma_start3A_364 : memref<1x128xi32, #tpu.memory_space<vmem>> -> memref<128xi32, #tpu.memory_space<vmem>>
      %dma_start3A_366 = arith.constant 0 : i32
      %dma_start3A_367 = arith.constant 0 : i32
      %dma_start3A_368 = tpu.memref_slice %arg5[%dma_start3A_366, %dma_start3A_367] : memref<30720x16xf32, #tpu.memory_space<vmem_shared>> -> memref<30720x16xf32, #tpu.memory_space<vmem_shared>>
      %dma_start3A_369 = tpu.memref_slice %arg8[%dma_start3A_362] : memref<8x!tpu.dma_semaphore, #tpu.memory_space<semaphore_mem>> -> memref<1x!tpu.dma_semaphore, #tpu.memory_space<semaphore_mem>>
      %dma_start3A_370 = tpu.memref_squeeze %dma_start3A_369 : memref<1x!tpu.dma_semaphore, #tpu.memory_space<semaphore_mem>> -> memref<!tpu.dma_semaphore, #tpu.memory_space<semaphore_mem>>
      tpu.enqueue_indirect_dma source(%arg7 : memref<128x16xf32, #tpu.memory_space<vmem>>) target(%dma_start3A_368 : memref<30720x16xf32, #tpu.memory_space<vmem_shared>>) offsets(%dma_start3A_365 : memref<128xi32, #tpu.memory_space<vmem>>) semaphore(%dma_start3A_370 : memref<!tpu.dma_semaphore, #tpu.memory_space<semaphore_mem>>) {add = true}
      %ge3A_371 = arith.constant 8 : i32
      %ge3A_372 = arith.cmpi sge, %add3A_361, %ge3A_371 : i32
      %convert_element_type3A_373 = arith.extui %ge3A_372 : i1 to i32
      %cond3A_374 = arith.constant 0 : i32
      %cond3A_375 = arith.cmpi ne, %convert_element_type3A_373, %cond3A_374 : i32
      scf.if %cond3A_375 {
        %sub3A = arith.constant 8 : i32
        %sub3A_431 = arith.subi %add3A_361, %sub3A : i32
        %dma_wait3A_432 = arith.constant 4 : i32
        %dma_wait3A_433 = arith.constant 0 : i32
        %dma_wait3A_434 = tpu.memref_slice %arg6[%sub3A_431, %dma_wait3A_433] : memref<40x128xi32, #tpu.memory_space<vmem>> -> memref<1x128xi32, #tpu.memory_space<vmem>>
        %dma_wait3A_435 = tpu.memref_squeeze %dma_wait3A_434 : memref<1x128xi32, #tpu.memory_space<vmem>> -> memref<128xi32, #tpu.memory_space<vmem>>
        %dma_wait3A_436 = arith.constant 0 : i32
        %dma_wait3A_437 = arith.constant 0 : i32
        %dma_wait3A_438 = tpu.memref_slice %arg5[%dma_wait3A_436, %dma_wait3A_437] : memref<30720x16xf32, #tpu.memory_space<vmem_shared>> -> memref<30720x16xf32, #tpu.memory_space<vmem_shared>>
        %dma_wait3A_439 = tpu.memref_slice %arg8[%dma_wait3A_432] : memref<8x!tpu.dma_semaphore, #tpu.memory_space<semaphore_mem>> -> memref<1x!tpu.dma_semaphore, #tpu.memory_space<semaphore_mem>>
        %dma_wait3A_440 = tpu.memref_squeeze %dma_wait3A_439 : memref<1x!tpu.dma_semaphore, #tpu.memory_space<semaphore_mem>> -> memref<!tpu.dma_semaphore, #tpu.memory_space<semaphore_mem>>
        tpu.wait_indirect_dma semaphore(%dma_wait3A_440 : memref<!tpu.dma_semaphore, #tpu.memory_space<semaphore_mem>>) src(%arg7 : memref<128x16xf32, #tpu.memory_space<vmem>>) dst(%dma_wait3A_438 : memref<30720x16xf32, #tpu.memory_space<vmem_shared>>)
      } else {
      }
      %mul3A_376 = arith.constant 8 : i32
      %mul3A_377 = arith.muli %scan3A_288, %mul3A_376 : i32
      %add3A_378 = arith.constant 5 : i32
      %add3A_379 = arith.addi %mul3A_377, %add3A_378 : i32
      %dma_start3A_380 = arith.constant 5 : i32
      %dma_start3A_381 = arith.constant 0 : i32
      %dma_start3A_382 = tpu.memref_slice %arg6[%add3A_379, %dma_start3A_381] : memref<40x128xi32, #tpu.memory_space<vmem>> -> memref<1x128xi32, #tpu.memory_space<vmem>>
      %dma_start3A_383 = tpu.memref_squeeze %dma_start3A_382 : memref<1x128xi32, #tpu.memory_space<vmem>> -> memref<128xi32, #tpu.memory_space<vmem>>
      %dma_start3A_384 = arith.constant 0 : i32
      %dma_start3A_385 = arith.constant 0 : i32
      %dma_start3A_386 = tpu.memref_slice %arg5[%dma_start3A_384, %dma_start3A_385] : memref<30720x16xf32, #tpu.memory_space<vmem_shared>> -> memref<30720x16xf32, #tpu.memory_space<vmem_shared>>
      %dma_start3A_387 = tpu.memref_slice %arg8[%dma_start3A_380] : memref<8x!tpu.dma_semaphore, #tpu.memory_space<semaphore_mem>> -> memref<1x!tpu.dma_semaphore, #tpu.memory_space<semaphore_mem>>
      %dma_start3A_388 = tpu.memref_squeeze %dma_start3A_387 : memref<1x!tpu.dma_semaphore, #tpu.memory_space<semaphore_mem>> -> memref<!tpu.dma_semaphore, #tpu.memory_space<semaphore_mem>>
      tpu.enqueue_indirect_dma source(%arg7 : memref<128x16xf32, #tpu.memory_space<vmem>>) target(%dma_start3A_386 : memref<30720x16xf32, #tpu.memory_space<vmem_shared>>) offsets(%dma_start3A_383 : memref<128xi32, #tpu.memory_space<vmem>>) semaphore(%dma_start3A_388 : memref<!tpu.dma_semaphore, #tpu.memory_space<semaphore_mem>>) {add = true}
      %ge3A_389 = arith.constant 8 : i32
      %ge3A_390 = arith.cmpi sge, %add3A_379, %ge3A_389 : i32
      %convert_element_type3A_391 = arith.extui %ge3A_390 : i1 to i32
      %cond3A_392 = arith.constant 0 : i32
      %cond3A_393 = arith.cmpi ne, %convert_element_type3A_391, %cond3A_392 : i32
      scf.if %cond3A_393 {
        %sub3A = arith.constant 8 : i32
        %sub3A_431 = arith.subi %add3A_379, %sub3A : i32
        %dma_wait3A_432 = arith.constant 5 : i32
        %dma_wait3A_433 = arith.constant 0 : i32
        %dma_wait3A_434 = tpu.memref_slice %arg6[%sub3A_431, %dma_wait3A_433] : memref<40x128xi32, #tpu.memory_space<vmem>> -> memref<1x128xi32, #tpu.memory_space<vmem>>
        %dma_wait3A_435 = tpu.memref_squeeze %dma_wait3A_434 : memref<1x128xi32, #tpu.memory_space<vmem>> -> memref<128xi32, #tpu.memory_space<vmem>>
        %dma_wait3A_436 = arith.constant 0 : i32
        %dma_wait3A_437 = arith.constant 0 : i32
        %dma_wait3A_438 = tpu.memref_slice %arg5[%dma_wait3A_436, %dma_wait3A_437] : memref<30720x16xf32, #tpu.memory_space<vmem_shared>> -> memref<30720x16xf32, #tpu.memory_space<vmem_shared>>
        %dma_wait3A_439 = tpu.memref_slice %arg8[%dma_wait3A_432] : memref<8x!tpu.dma_semaphore, #tpu.memory_space<semaphore_mem>> -> memref<1x!tpu.dma_semaphore, #tpu.memory_space<semaphore_mem>>
        %dma_wait3A_440 = tpu.memref_squeeze %dma_wait3A_439 : memref<1x!tpu.dma_semaphore, #tpu.memory_space<semaphore_mem>> -> memref<!tpu.dma_semaphore, #tpu.memory_space<semaphore_mem>>
        tpu.wait_indirect_dma semaphore(%dma_wait3A_440 : memref<!tpu.dma_semaphore, #tpu.memory_space<semaphore_mem>>) src(%arg7 : memref<128x16xf32, #tpu.memory_space<vmem>>) dst(%dma_wait3A_438 : memref<30720x16xf32, #tpu.memory_space<vmem_shared>>)
      } else {
      }
      %mul3A_394 = arith.constant 8 : i32
      %mul3A_395 = arith.muli %scan3A_288, %mul3A_394 : i32
      %add3A_396 = arith.constant 6 : i32
      %add3A_397 = arith.addi %mul3A_395, %add3A_396 : i32
      %dma_start3A_398 = arith.constant 6 : i32
      %dma_start3A_399 = arith.constant 0 : i32
      %dma_start3A_400 = tpu.memref_slice %arg6[%add3A_397, %dma_start3A_399] : memref<40x128xi32, #tpu.memory_space<vmem>> -> memref<1x128xi32, #tpu.memory_space<vmem>>
      %dma_start3A_401 = tpu.memref_squeeze %dma_start3A_400 : memref<1x128xi32, #tpu.memory_space<vmem>> -> memref<128xi32, #tpu.memory_space<vmem>>
      %dma_start3A_402 = arith.constant 0 : i32
      %dma_start3A_403 = arith.constant 0 : i32
      %dma_start3A_404 = tpu.memref_slice %arg5[%dma_start3A_402, %dma_start3A_403] : memref<30720x16xf32, #tpu.memory_space<vmem_shared>> -> memref<30720x16xf32, #tpu.memory_space<vmem_shared>>
      %dma_start3A_405 = tpu.memref_slice %arg8[%dma_start3A_398] : memref<8x!tpu.dma_semaphore, #tpu.memory_space<semaphore_mem>> -> memref<1x!tpu.dma_semaphore, #tpu.memory_space<semaphore_mem>>
      %dma_start3A_406 = tpu.memref_squeeze %dma_start3A_405 : memref<1x!tpu.dma_semaphore, #tpu.memory_space<semaphore_mem>> -> memref<!tpu.dma_semaphore, #tpu.memory_space<semaphore_mem>>
      tpu.enqueue_indirect_dma source(%arg7 : memref<128x16xf32, #tpu.memory_space<vmem>>) target(%dma_start3A_404 : memref<30720x16xf32, #tpu.memory_space<vmem_shared>>) offsets(%dma_start3A_401 : memref<128xi32, #tpu.memory_space<vmem>>) semaphore(%dma_start3A_406 : memref<!tpu.dma_semaphore, #tpu.memory_space<semaphore_mem>>) {add = true}
      %ge3A_407 = arith.constant 8 : i32
      %ge3A_408 = arith.cmpi sge, %add3A_397, %ge3A_407 : i32
      %convert_element_type3A_409 = arith.extui %ge3A_408 : i1 to i32
      %cond3A_410 = arith.constant 0 : i32
      %cond3A_411 = arith.cmpi ne, %convert_element_type3A_409, %cond3A_410 : i32
      scf.if %cond3A_411 {
        %sub3A = arith.constant 8 : i32
        %sub3A_431 = arith.subi %add3A_397, %sub3A : i32
        %dma_wait3A_432 = arith.constant 6 : i32
        %dma_wait3A_433 = arith.constant 0 : i32
        %dma_wait3A_434 = tpu.memref_slice %arg6[%sub3A_431, %dma_wait3A_433] : memref<40x128xi32, #tpu.memory_space<vmem>> -> memref<1x128xi32, #tpu.memory_space<vmem>>
        %dma_wait3A_435 = tpu.memref_squeeze %dma_wait3A_434 : memref<1x128xi32, #tpu.memory_space<vmem>> -> memref<128xi32, #tpu.memory_space<vmem>>
        %dma_wait3A_436 = arith.constant 0 : i32
        %dma_wait3A_437 = arith.constant 0 : i32
        %dma_wait3A_438 = tpu.memref_slice %arg5[%dma_wait3A_436, %dma_wait3A_437] : memref<30720x16xf32, #tpu.memory_space<vmem_shared>> -> memref<30720x16xf32, #tpu.memory_space<vmem_shared>>
        %dma_wait3A_439 = tpu.memref_slice %arg8[%dma_wait3A_432] : memref<8x!tpu.dma_semaphore, #tpu.memory_space<semaphore_mem>> -> memref<1x!tpu.dma_semaphore, #tpu.memory_space<semaphore_mem>>
        %dma_wait3A_440 = tpu.memref_squeeze %dma_wait3A_439 : memref<1x!tpu.dma_semaphore, #tpu.memory_space<semaphore_mem>> -> memref<!tpu.dma_semaphore, #tpu.memory_space<semaphore_mem>>
        tpu.wait_indirect_dma semaphore(%dma_wait3A_440 : memref<!tpu.dma_semaphore, #tpu.memory_space<semaphore_mem>>) src(%arg7 : memref<128x16xf32, #tpu.memory_space<vmem>>) dst(%dma_wait3A_438 : memref<30720x16xf32, #tpu.memory_space<vmem_shared>>)
      } else {
      }
      %mul3A_412 = arith.constant 8 : i32
      %mul3A_413 = arith.muli %scan3A_288, %mul3A_412 : i32
      %add3A_414 = arith.constant 7 : i32
      %add3A_415 = arith.addi %mul3A_413, %add3A_414 : i32
      %dma_start3A_416 = arith.constant 7 : i32
      %dma_start3A_417 = arith.constant 0 : i32
      %dma_start3A_418 = tpu.memref_slice %arg6[%add3A_415, %dma_start3A_417] : memref<40x128xi32, #tpu.memory_space<vmem>> -> memref<1x128xi32, #tpu.memory_space<vmem>>
      %dma_start3A_419 = tpu.memref_squeeze %dma_start3A_418 : memref<1x128xi32, #tpu.memory_space<vmem>> -> memref<128xi32, #tpu.memory_space<vmem>>
      %dma_start3A_420 = arith.constant 0 : i32
      %dma_start3A_421 = arith.constant 0 : i32
      %dma_start3A_422 = tpu.memref_slice %arg5[%dma_start3A_420, %dma_start3A_421] : memref<30720x16xf32, #tpu.memory_space<vmem_shared>> -> memref<30720x16xf32, #tpu.memory_space<vmem_shared>>
      %dma_start3A_423 = tpu.memref_slice %arg8[%dma_start3A_416] : memref<8x!tpu.dma_semaphore, #tpu.memory_space<semaphore_mem>> -> memref<1x!tpu.dma_semaphore, #tpu.memory_space<semaphore_mem>>
      %dma_start3A_424 = tpu.memref_squeeze %dma_start3A_423 : memref<1x!tpu.dma_semaphore, #tpu.memory_space<semaphore_mem>> -> memref<!tpu.dma_semaphore, #tpu.memory_space<semaphore_mem>>
      tpu.enqueue_indirect_dma source(%arg7 : memref<128x16xf32, #tpu.memory_space<vmem>>) target(%dma_start3A_422 : memref<30720x16xf32, #tpu.memory_space<vmem_shared>>) offsets(%dma_start3A_419 : memref<128xi32, #tpu.memory_space<vmem>>) semaphore(%dma_start3A_424 : memref<!tpu.dma_semaphore, #tpu.memory_space<semaphore_mem>>) {add = true}
      %ge3A_425 = arith.constant 8 : i32
      %ge3A_426 = arith.cmpi sge, %add3A_415, %ge3A_425 : i32
      %convert_element_type3A_427 = arith.extui %ge3A_426 : i1 to i32
      %cond3A_428 = arith.constant 0 : i32
      %cond3A_429 = arith.cmpi ne, %convert_element_type3A_427, %cond3A_428 : i32
      scf.if %cond3A_429 {
        %sub3A = arith.constant 8 : i32
        %sub3A_431 = arith.subi %add3A_415, %sub3A : i32
        %dma_wait3A_432 = arith.constant 7 : i32
        %dma_wait3A_433 = arith.constant 0 : i32
        %dma_wait3A_434 = tpu.memref_slice %arg6[%sub3A_431, %dma_wait3A_433] : memref<40x128xi32, #tpu.memory_space<vmem>> -> memref<1x128xi32, #tpu.memory_space<vmem>>
        %dma_wait3A_435 = tpu.memref_squeeze %dma_wait3A_434 : memref<1x128xi32, #tpu.memory_space<vmem>> -> memref<128xi32, #tpu.memory_space<vmem>>
        %dma_wait3A_436 = arith.constant 0 : i32
        %dma_wait3A_437 = arith.constant 0 : i32
        %dma_wait3A_438 = tpu.memref_slice %arg5[%dma_wait3A_436, %dma_wait3A_437] : memref<30720x16xf32, #tpu.memory_space<vmem_shared>> -> memref<30720x16xf32, #tpu.memory_space<vmem_shared>>
        %dma_wait3A_439 = tpu.memref_slice %arg8[%dma_wait3A_432] : memref<8x!tpu.dma_semaphore, #tpu.memory_space<semaphore_mem>> -> memref<1x!tpu.dma_semaphore, #tpu.memory_space<semaphore_mem>>
        %dma_wait3A_440 = tpu.memref_squeeze %dma_wait3A_439 : memref<1x!tpu.dma_semaphore, #tpu.memory_space<semaphore_mem>> -> memref<!tpu.dma_semaphore, #tpu.memory_space<semaphore_mem>>
        tpu.wait_indirect_dma semaphore(%dma_wait3A_440 : memref<!tpu.dma_semaphore, #tpu.memory_space<semaphore_mem>>) src(%arg7 : memref<128x16xf32, #tpu.memory_space<vmem>>) dst(%dma_wait3A_438 : memref<30720x16xf32, #tpu.memory_space<vmem_shared>>)
      } else {
      }
      %scan3A_430 = arith.constant 0 : i32
      scf.yield %scan3A_430 : i32
    }
    %scan3A_199 = arith.constant 5 : i32
    %dma_wait3A_200 = arith.constant 32 : i32
    %dma_wait3A_201 = arith.constant 0 : i32
    %dma_wait3A_202 = arith.constant 0 : i32
    %dma_wait3A_203 = tpu.memref_slice %arg6[%dma_wait3A_200, %dma_wait3A_202] : memref<40x128xi32, #tpu.memory_space<vmem>> -> memref<1x128xi32, #tpu.memory_space<vmem>>
    %dma_wait3A_204 = tpu.memref_squeeze %dma_wait3A_203 : memref<1x128xi32, #tpu.memory_space<vmem>> -> memref<128xi32, #tpu.memory_space<vmem>>
    %dma_wait3A_205 = arith.constant 0 : i32
    %dma_wait3A_206 = arith.constant 0 : i32
    %dma_wait3A_207 = tpu.memref_slice %arg5[%dma_wait3A_205, %dma_wait3A_206] : memref<30720x16xf32, #tpu.memory_space<vmem_shared>> -> memref<30720x16xf32, #tpu.memory_space<vmem_shared>>
    %dma_wait3A_208 = tpu.memref_slice %arg8[%dma_wait3A_201] : memref<8x!tpu.dma_semaphore, #tpu.memory_space<semaphore_mem>> -> memref<1x!tpu.dma_semaphore, #tpu.memory_space<semaphore_mem>>
    %dma_wait3A_209 = tpu.memref_squeeze %dma_wait3A_208 : memref<1x!tpu.dma_semaphore, #tpu.memory_space<semaphore_mem>> -> memref<!tpu.dma_semaphore, #tpu.memory_space<semaphore_mem>>
    tpu.wait_indirect_dma semaphore(%dma_wait3A_209 : memref<!tpu.dma_semaphore, #tpu.memory_space<semaphore_mem>>) src(%arg7 : memref<128x16xf32, #tpu.memory_space<vmem>>) dst(%dma_wait3A_207 : memref<30720x16xf32, #tpu.memory_space<vmem_shared>>)
    %dma_wait3A_210 = arith.constant 33 : i32
    %dma_wait3A_211 = arith.constant 1 : i32
    %dma_wait3A_212 = arith.constant 0 : i32
    %dma_wait3A_213 = tpu.memref_slice %arg6[%dma_wait3A_210, %dma_wait3A_212] : memref<40x128xi32, #tpu.memory_space<vmem>> -> memref<1x128xi32, #tpu.memory_space<vmem>>
    %dma_wait3A_214 = tpu.memref_squeeze %dma_wait3A_213 : memref<1x128xi32, #tpu.memory_space<vmem>> -> memref<128xi32, #tpu.memory_space<vmem>>
    %dma_wait3A_215 = arith.constant 0 : i32
    %dma_wait3A_216 = arith.constant 0 : i32
    %dma_wait3A_217 = tpu.memref_slice %arg5[%dma_wait3A_215, %dma_wait3A_216] : memref<30720x16xf32, #tpu.memory_space<vmem_shared>> -> memref<30720x16xf32, #tpu.memory_space<vmem_shared>>
    %dma_wait3A_218 = tpu.memref_slice %arg8[%dma_wait3A_211] : memref<8x!tpu.dma_semaphore, #tpu.memory_space<semaphore_mem>> -> memref<1x!tpu.dma_semaphore, #tpu.memory_space<semaphore_mem>>
    %dma_wait3A_219 = tpu.memref_squeeze %dma_wait3A_218 : memref<1x!tpu.dma_semaphore, #tpu.memory_space<semaphore_mem>> -> memref<!tpu.dma_semaphore, #tpu.memory_space<semaphore_mem>>
    tpu.wait_indirect_dma semaphore(%dma_wait3A_219 : memref<!tpu.dma_semaphore, #tpu.memory_space<semaphore_mem>>) src(%arg7 : memref<128x16xf32, #tpu.memory_space<vmem>>) dst(%dma_wait3A_217 : memref<30720x16xf32, #tpu.memory_space<vmem_shared>>)
    %dma_wait3A_220 = arith.constant 34 : i32
    %dma_wait3A_221 = arith.constant 2 : i32
    %dma_wait3A_222 = arith.constant 0 : i32
    %dma_wait3A_223 = tpu.memref_slice %arg6[%dma_wait3A_220, %dma_wait3A_222] : memref<40x128xi32, #tpu.memory_space<vmem>> -> memref<1x128xi32, #tpu.memory_space<vmem>>
    %dma_wait3A_224 = tpu.memref_squeeze %dma_wait3A_223 : memref<1x128xi32, #tpu.memory_space<vmem>> -> memref<128xi32, #tpu.memory_space<vmem>>
    %dma_wait3A_225 = arith.constant 0 : i32
    %dma_wait3A_226 = arith.constant 0 : i32
    %dma_wait3A_227 = tpu.memref_slice %arg5[%dma_wait3A_225, %dma_wait3A_226] : memref<30720x16xf32, #tpu.memory_space<vmem_shared>> -> memref<30720x16xf32, #tpu.memory_space<vmem_shared>>
    %dma_wait3A_228 = tpu.memref_slice %arg8[%dma_wait3A_221] : memref<8x!tpu.dma_semaphore, #tpu.memory_space<semaphore_mem>> -> memref<1x!tpu.dma_semaphore, #tpu.memory_space<semaphore_mem>>
    %dma_wait3A_229 = tpu.memref_squeeze %dma_wait3A_228 : memref<1x!tpu.dma_semaphore, #tpu.memory_space<semaphore_mem>> -> memref<!tpu.dma_semaphore, #tpu.memory_space<semaphore_mem>>
    tpu.wait_indirect_dma semaphore(%dma_wait3A_229 : memref<!tpu.dma_semaphore, #tpu.memory_space<semaphore_mem>>) src(%arg7 : memref<128x16xf32, #tpu.memory_space<vmem>>) dst(%dma_wait3A_227 : memref<30720x16xf32, #tpu.memory_space<vmem_shared>>)
    %dma_wait3A_230 = arith.constant 35 : i32
    %dma_wait3A_231 = arith.constant 3 : i32
    %dma_wait3A_232 = arith.constant 0 : i32
    %dma_wait3A_233 = tpu.memref_slice %arg6[%dma_wait3A_230, %dma_wait3A_232] : memref<40x128xi32, #tpu.memory_space<vmem>> -> memref<1x128xi32, #tpu.memory_space<vmem>>
    %dma_wait3A_234 = tpu.memref_squeeze %dma_wait3A_233 : memref<1x128xi32, #tpu.memory_space<vmem>> -> memref<128xi32, #tpu.memory_space<vmem>>
    %dma_wait3A_235 = arith.constant 0 : i32
    %dma_wait3A_236 = arith.constant 0 : i32
    %dma_wait3A_237 = tpu.memref_slice %arg5[%dma_wait3A_235, %dma_wait3A_236] : memref<30720x16xf32, #tpu.memory_space<vmem_shared>> -> memref<30720x16xf32, #tpu.memory_space<vmem_shared>>
    %dma_wait3A_238 = tpu.memref_slice %arg8[%dma_wait3A_231] : memref<8x!tpu.dma_semaphore, #tpu.memory_space<semaphore_mem>> -> memref<1x!tpu.dma_semaphore, #tpu.memory_space<semaphore_mem>>
    %dma_wait3A_239 = tpu.memref_squeeze %dma_wait3A_238 : memref<1x!tpu.dma_semaphore, #tpu.memory_space<semaphore_mem>> -> memref<!tpu.dma_semaphore, #tpu.memory_space<semaphore_mem>>
    tpu.wait_indirect_dma semaphore(%dma_wait3A_239 : memref<!tpu.dma_semaphore, #tpu.memory_space<semaphore_mem>>) src(%arg7 : memref<128x16xf32, #tpu.memory_space<vmem>>) dst(%dma_wait3A_237 : memref<30720x16xf32, #tpu.memory_space<vmem_shared>>)
    %dma_wait3A_240 = arith.constant 36 : i32
    %dma_wait3A_241 = arith.constant 4 : i32
    %dma_wait3A_242 = arith.constant 0 : i32
    %dma_wait3A_243 = tpu.memref_slice %arg6[%dma_wait3A_240, %dma_wait3A_242] : memref<40x128xi32, #tpu.memory_space<vmem>> -> memref<1x128xi32, #tpu.memory_space<vmem>>
    %dma_wait3A_244 = tpu.memref_squeeze %dma_wait3A_243 : memref<1x128xi32, #tpu.memory_space<vmem>> -> memref<128xi32, #tpu.memory_space<vmem>>
    %dma_wait3A_245 = arith.constant 0 : i32
    %dma_wait3A_246 = arith.constant 0 : i32
    %dma_wait3A_247 = tpu.memref_slice %arg5[%dma_wait3A_245, %dma_wait3A_246] : memref<30720x16xf32, #tpu.memory_space<vmem_shared>> -> memref<30720x16xf32, #tpu.memory_space<vmem_shared>>
    %dma_wait3A_248 = tpu.memref_slice %arg8[%dma_wait3A_241] : memref<8x!tpu.dma_semaphore, #tpu.memory_space<semaphore_mem>> -> memref<1x!tpu.dma_semaphore, #tpu.memory_space<semaphore_mem>>
    %dma_wait3A_249 = tpu.memref_squeeze %dma_wait3A_248 : memref<1x!tpu.dma_semaphore, #tpu.memory_space<semaphore_mem>> -> memref<!tpu.dma_semaphore, #tpu.memory_space<semaphore_mem>>
    tpu.wait_indirect_dma semaphore(%dma_wait3A_249 : memref<!tpu.dma_semaphore, #tpu.memory_space<semaphore_mem>>) src(%arg7 : memref<128x16xf32, #tpu.memory_space<vmem>>) dst(%dma_wait3A_247 : memref<30720x16xf32, #tpu.memory_space<vmem_shared>>)
    %dma_wait3A_250 = arith.constant 37 : i32
    %dma_wait3A_251 = arith.constant 5 : i32
    %dma_wait3A_252 = arith.constant 0 : i32
    %dma_wait3A_253 = tpu.memref_slice %arg6[%dma_wait3A_250, %dma_wait3A_252] : memref<40x128xi32, #tpu.memory_space<vmem>> -> memref<1x128xi32, #tpu.memory_space<vmem>>
    %dma_wait3A_254 = tpu.memref_squeeze %dma_wait3A_253 : memref<1x128xi32, #tpu.memory_space<vmem>> -> memref<128xi32, #tpu.memory_space<vmem>>
    %dma_wait3A_255 = arith.constant 0 : i32
    %dma_wait3A_256 = arith.constant 0 : i32
    %dma_wait3A_257 = tpu.memref_slice %arg5[%dma_wait3A_255, %dma_wait3A_256] : memref<30720x16xf32, #tpu.memory_space<vmem_shared>> -> memref<30720x16xf32, #tpu.memory_space<vmem_shared>>
    %dma_wait3A_258 = tpu.memref_slice %arg8[%dma_wait3A_251] : memref<8x!tpu.dma_semaphore, #tpu.memory_space<semaphore_mem>> -> memref<1x!tpu.dma_semaphore, #tpu.memory_space<semaphore_mem>>
    %dma_wait3A_259 = tpu.memref_squeeze %dma_wait3A_258 : memref<1x!tpu.dma_semaphore, #tpu.memory_space<semaphore_mem>> -> memref<!tpu.dma_semaphore, #tpu.memory_space<semaphore_mem>>
    tpu.wait_indirect_dma semaphore(%dma_wait3A_259 : memref<!tpu.dma_semaphore, #tpu.memory_space<semaphore_mem>>) src(%arg7 : memref<128x16xf32, #tpu.memory_space<vmem>>) dst(%dma_wait3A_257 : memref<30720x16xf32, #tpu.memory_space<vmem_shared>>)
    %dma_wait3A_260 = arith.constant 38 : i32
    %dma_wait3A_261 = arith.constant 6 : i32
    %dma_wait3A_262 = arith.constant 0 : i32
    %dma_wait3A_263 = tpu.memref_slice %arg6[%dma_wait3A_260, %dma_wait3A_262] : memref<40x128xi32, #tpu.memory_space<vmem>> -> memref<1x128xi32, #tpu.memory_space<vmem>>
    %dma_wait3A_264 = tpu.memref_squeeze %dma_wait3A_263 : memref<1x128xi32, #tpu.memory_space<vmem>> -> memref<128xi32, #tpu.memory_space<vmem>>
    %dma_wait3A_265 = arith.constant 0 : i32
    %dma_wait3A_266 = arith.constant 0 : i32
    %dma_wait3A_267 = tpu.memref_slice %arg5[%dma_wait3A_265, %dma_wait3A_266] : memref<30720x16xf32, #tpu.memory_space<vmem_shared>> -> memref<30720x16xf32, #tpu.memory_space<vmem_shared>>
    %dma_wait3A_268 = tpu.memref_slice %arg8[%dma_wait3A_261] : memref<8x!tpu.dma_semaphore, #tpu.memory_space<semaphore_mem>> -> memref<1x!tpu.dma_semaphore, #tpu.memory_space<semaphore_mem>>
    %dma_wait3A_269 = tpu.memref_squeeze %dma_wait3A_268 : memref<1x!tpu.dma_semaphore, #tpu.memory_space<semaphore_mem>> -> memref<!tpu.dma_semaphore, #tpu.memory_space<semaphore_mem>>
    tpu.wait_indirect_dma semaphore(%dma_wait3A_269 : memref<!tpu.dma_semaphore, #tpu.memory_space<semaphore_mem>>) src(%arg7 : memref<128x16xf32, #tpu.memory_space<vmem>>) dst(%dma_wait3A_267 : memref<30720x16xf32, #tpu.memory_space<vmem_shared>>)
    %dma_wait3A_270 = arith.constant 39 : i32
    %dma_wait3A_271 = arith.constant 7 : i32
    %dma_wait3A_272 = arith.constant 0 : i32
    %dma_wait3A_273 = tpu.memref_slice %arg6[%dma_wait3A_270, %dma_wait3A_272] : memref<40x128xi32, #tpu.memory_space<vmem>> -> memref<1x128xi32, #tpu.memory_space<vmem>>
    %dma_wait3A_274 = tpu.memref_squeeze %dma_wait3A_273 : memref<1x128xi32, #tpu.memory_space<vmem>> -> memref<128xi32, #tpu.memory_space<vmem>>
    %dma_wait3A_275 = arith.constant 0 : i32
    %dma_wait3A_276 = arith.constant 0 : i32
    %dma_wait3A_277 = tpu.memref_slice %arg5[%dma_wait3A_275, %dma_wait3A_276] : memref<30720x16xf32, #tpu.memory_space<vmem_shared>> -> memref<30720x16xf32, #tpu.memory_space<vmem_shared>>
    %dma_wait3A_278 = tpu.memref_slice %arg8[%dma_wait3A_271] : memref<8x!tpu.dma_semaphore, #tpu.memory_space<semaphore_mem>> -> memref<1x!tpu.dma_semaphore, #tpu.memory_space<semaphore_mem>>
    %dma_wait3A_279 = tpu.memref_squeeze %dma_wait3A_278 : memref<1x!tpu.dma_semaphore, #tpu.memory_space<semaphore_mem>> -> memref<!tpu.dma_semaphore, #tpu.memory_space<semaphore_mem>>
    tpu.wait_indirect_dma semaphore(%dma_wait3A_279 : memref<!tpu.dma_semaphore, #tpu.memory_space<semaphore_mem>>) src(%arg7 : memref<128x16xf32, #tpu.memory_space<vmem>>) dst(%dma_wait3A_277 : memref<30720x16xf32, #tpu.memory_space<vmem_shared>>)
    %barrier3A_280 = arith.constant 0 : index
    tpu.barrier barrier_id(%barrier3A_280)
    %scan3A_281 = arith.constant 0 : i32
    %scan3A_282 = arith.constant 0 : i32
    %scan3A_283 = arith.constant 15 : i32
    %scan3A_284 = arith.addi %scan3A_282, %scan3A_283 : i32
    %scan3A_285 = arith.constant 1 : i32
    %scan3A_286 = scf.for %scan3A_288 = %scan3A_282 to %scan3A_284 step %scan3A_285 iter_args(%scan3A_289 = %scan3A_281) -> (i32)  : i32 {
      %mul3A_290 = arith.constant 128 : i32
      %mul3A_291 = arith.muli %scan3A_288, %mul3A_290 : i32
      %add3A_292 = arith.addi %mul3A_8, %mul3A_291 : i32
      "tpu.region"() ({
        %run_scoped3A = tpu.sem_alloc : memref<!tpu.dma_semaphore, #tpu.memory_space<semaphore_mem>>
        %dma_start3A = arith.constant 0 : i32
        %dma_start3A_294 = tpu.memref_slice %arg5[%add3A_292, %dma_start3A] : memref<30720x16xf32, #tpu.memory_space<vmem_shared>> -> memref<128x16xf32, #tpu.memory_space<vmem_shared>>
        %dma_start3A_295 = arith.constant 0 : i32
        %dma_start3A_296 = tpu.memref_slice %arg5[%add3A_292, %dma_start3A_295] : memref<30720x16xf32, #tpu.memory_space<vmem_shared>> -> memref<128x16xf32, #tpu.memory_space<vmem_shared>>
        tpu.enqueue_dma source(%dma_start3A_296 : memref<128x16xf32, #tpu.memory_space<vmem_shared>>) target(%arg7 : memref<128x16xf32, #tpu.memory_space<vmem>>) target_semaphore(%run_scoped3A : memref<!tpu.dma_semaphore, #tpu.memory_space<semaphore_mem>>)
        %dma_wait3A_297 = arith.constant 0 : i32
        %dma_wait3A_298 = tpu.memref_slice %arg5[%add3A_292, %dma_wait3A_297] : memref<30720x16xf32, #tpu.memory_space<vmem_shared>> -> memref<128x16xf32, #tpu.memory_space<vmem_shared>>
        %dma_wait3A_299 = arith.constant 0 : i32
        %dma_wait3A_300 = tpu.memref_slice %arg5[%add3A_292, %dma_wait3A_299] : memref<30720x16xf32, #tpu.memory_space<vmem_shared>> -> memref<128x16xf32, #tpu.memory_space<vmem_shared>>
        tpu.wait_dma2 semaphore(%run_scoped3A : memref<!tpu.dma_semaphore, #tpu.memory_space<semaphore_mem>>) src(%dma_wait3A_300 : memref<128x16xf32, #tpu.memory_space<vmem_shared>>) dst(%arg7 : memref<128x16xf32, #tpu.memory_space<vmem>>)
        tpu.yield
      }) : () -> ()
      "tpu.region"() ({
        %run_scoped3A = tpu.sem_alloc : memref<!tpu.dma_semaphore, #tpu.memory_space<semaphore_mem>>
        %dma_start3A = arith.constant 0 : i32
        %dma_start3A_294 = arith.constant 0 : i32
        %dma_start3A_295 = tpu.memref_slice %arg4[%arg0, %dma_start3A, %dma_start3A_294] : memref<2x30720x16xf32, #tpu.memory_space<hbm>> -> memref<1x30720x16xf32, #tpu.memory_space<hbm>>
        %dma_start3A_296 = tpu.memref_squeeze %dma_start3A_295 : memref<1x30720x16xf32, #tpu.memory_space<hbm>> -> memref<30720x16xf32, #tpu.memory_space<hbm>>
        %dma_start3A_297 = arith.constant 0 : i32
        %dma_start3A_298 = tpu.memref_slice %dma_start3A_296[%add3A_292, %dma_start3A_297] : memref<30720x16xf32, #tpu.memory_space<hbm>> -> memref<128x16xf32, #tpu.memory_space<hbm>>
        %dma_start3A_299 = arith.constant 0 : i32
        %dma_start3A_300 = arith.constant 0 : i32
        %dma_start3A_301 = tpu.memref_slice %arg4[%arg0, %dma_start3A_299, %dma_start3A_300] : memref<2x30720x16xf32, #tpu.memory_space<hbm>> -> memref<1x30720x16xf32, #tpu.memory_space<hbm>>
        %dma_start3A_302 = tpu.memref_squeeze %dma_start3A_301 : memref<1x30720x16xf32, #tpu.memory_space<hbm>> -> memref<30720x16xf32, #tpu.memory_space<hbm>>
        %dma_start3A_303 = arith.constant 0 : i32
        %dma_start3A_304 = tpu.memref_slice %dma_start3A_302[%add3A_292, %dma_start3A_303] : memref<30720x16xf32, #tpu.memory_space<hbm>> -> memref<128x16xf32, #tpu.memory_space<hbm>>
        tpu.enqueue_dma source(%arg7 : memref<128x16xf32, #tpu.memory_space<vmem>>) target(%dma_start3A_304 : memref<128x16xf32, #tpu.memory_space<hbm>>) target_semaphore(%run_scoped3A : memref<!tpu.dma_semaphore, #tpu.memory_space<semaphore_mem>>)
        %dma_wait3A_305 = arith.constant 0 : i32
        %dma_wait3A_306 = arith.constant 0 : i32
        %dma_wait3A_307 = tpu.memref_slice %arg4[%arg0, %dma_wait3A_305, %dma_wait3A_306] : memref<2x30720x16xf32, #tpu.memory_space<hbm>> -> memref<1x30720x16xf32, #tpu.memory_space<hbm>>
        %dma_wait3A_308 = tpu.memref_squeeze %dma_wait3A_307 : memref<1x30720x16xf32, #tpu.memory_space<hbm>> -> memref<30720x16xf32, #tpu.memory_space<hbm>>
        %dma_wait3A_309 = arith.constant 0 : i32
        %dma_wait3A_310 = tpu.memref_slice %dma_wait3A_308[%add3A_292, %dma_wait3A_309] : memref<30720x16xf32, #tpu.memory_space<hbm>> -> memref<128x16xf32, #tpu.memory_space<hbm>>
        %dma_wait3A_311 = arith.constant 0 : i32
        %dma_wait3A_312 = arith.constant 0 : i32
        %dma_wait3A_313 = tpu.memref_slice %arg4[%arg0, %dma_wait3A_311, %dma_wait3A_312] : memref<2x30720x16xf32, #tpu.memory_space<hbm>> -> memref<1x30720x16xf32, #tpu.memory_space<hbm>>
        %dma_wait3A_314 = tpu.memref_squeeze %dma_wait3A_313 : memref<1x30720x16xf32, #tpu.memory_space<hbm>> -> memref<30720x16xf32, #tpu.memory_space<hbm>>
        %dma_wait3A_315 = arith.constant 0 : i32
        %dma_wait3A_316 = tpu.memref_slice %dma_wait3A_314[%add3A_292, %dma_wait3A_315] : memref<30720x16xf32, #tpu.memory_space<hbm>> -> memref<128x16xf32, #tpu.memory_space<hbm>>
        tpu.wait_dma2 semaphore(%run_scoped3A : memref<!tpu.dma_semaphore, #tpu.memory_space<semaphore_mem>>) src(%arg7 : memref<128x16xf32, #tpu.memory_space<vmem>>) dst(%dma_wait3A_316 : memref<128x16xf32, #tpu.memory_space<hbm>>)
        tpu.yield
      }) : () -> ()
      %scan3A_293 = arith.constant 0 : i32
      scf.yield %scan3A_293 : i32
    }
    %scan3A_287 = arith.constant 15 : i32
    return
  }
}

</mosaic_0001>

<sc_bundles>
// kernel: _sc_deg.3.cloned.1.call-start
scs
__scs_entry_jumppad:
0x0: {  	(pc) =	sbr.rel $0x88, $3  }
0x1: {  	(tag) =	ssettag $0x0;
	lr =	simm.s32 $0x1  }
0x2: {  	[smem:$0x3F9F] =	sst lr;
	_ =	strace $0xD0000000  }
0x3: {  	_ = 	snop  }
0x4: {  	_ = 	snop  }
0x5: {  	_ = 	snop  }
0x6: {  	_ = 	snop  }
0x7: {  	_ = 	snop  }
__scs_overlays_trampoline_lowered:
0x8: {  	[smem:$0x3FAE] =	sst s0  }
0x9: {  	[smem:$0x3FAF] =	sst s1  }
0xa: {  	[smem:$0x3FB0] =	sst s2  }
0xb: {  	[smem:$0x3FB1] =	sst s3  }
0xc: {  	[smem:$0x3FB2] =	sst s4  }
0xd: {  	[smem:$0x3FB3] =	sst s5  }
0xe: {  	[smem:$0x3FB4] =	sst s6  }
0xf: {  	[smem:$0x3FB5] =	sst s7  }
0x10: {  	[smem:$0x3FB6] =	sst s8  }
0x11: {  	[smem:$0x3FB7] =	sst s9;
	s0 =	simm.s32 @!p0 $0x0  }
0x12: {  	s1 =	sld [smem:$0x3F9D];
	s0 =	simm.s32 @p0 $0x1  }
0x13: {  	[smem:$0x3FB8] =	sst s0;
	s0 =	simm.s32 @!p1 $0x0  }
0x14: {  	s2 =	sld [smem:$0x3F9C];
	s0 =	simm.s32 @p1 $0x1  }
0x15: {  	[smem:$0x3FB9] =	sst s0;
	s0 =	simm.s32 @!p2 $0x0  }
0x16: {  	s3 =	sld [smem:$0x3FDB];
	s0 =	simm.s32 @p2 $0x1  }
0x17: {  	s4 =	simm.s32 $0x1BF5;
	[smem:$0x3FBB] =	sst s0  }
0x18: {  	s0 =	sld [smem:$0x3F9E];
	_ =	swait.ge [sflag:s4], $0x0  }
0x19: {  	s7 =	sld [smem:$0x3F9F]  }
0x1a: {  	s8 =	sadd.s32 $0xFFFFE003, lr  }
0x1b: {  	s9 =	sadd.s32 $0xFFFFFEF7, lr;
	s5 =	simm.s32 $0xFFFFFFFF;
	p2 =	slt.u32 s8, $0xFFFFF086  }
0x1c: {  	p1 =	slt.u32 s9, $0xF7A;
	s5 =	simm.s32 @!p2 $0x0  }
0x1d: {  	s5 =	simm.s32 @p1 $0x1;
	p0 =	seq.s32 s7, s2  }
0x1e: {  	s7 =	smul.u32 @!p0 $0xF7A, s2;
	p2 =	seq.s32 @!p0 s5, $0x0  }
0x1f: {  	s9 =	smul.u32 $0xF7A, s1;
	s8 =	simm.s32 @!p0 $0x1BF5;
	p2 =	por !p2, p0  }
0x20: {  	[sflag:s8] =	ssyncset.s32 @!p0 $0xFFFFF086;
	s6 =	sadd.s32 @!p0 s3, s7;
	s7 =	simm.s32 @!p0 $0x108  }
0x21: {  	s3 =	sadd.s32 s3, s9;
	s6 =	sadd.s32 @!p0 $0x88, s6;
	s7 =	simm.s32 @p2 $0x1082  }
0x22: {  	[simem:s7], [sflag:s8] =	dma.local @!p0 [hbm:s6], $0xF7A  }
0x23: {  	s9 =	sor.u32 $0xD0000000, s2;
	s6 =	simm.s32 $0x108;
	_ =	swait.ge @!p0 [sflag:s8], $0x0  }
0x24: {  	s3 =	sadd.s32 $0x88, s3;
	s6 =	simm.s32 @!p1 $0x1082;
	[sflag:s4] =	ssyncset.s32 $0xFFFFF086  }
0x25: {  	[simem:s6], [sflag:s4] =	dma.local [hbm:s3], $0xF7A  }
0x26: {  	[smem:$0x3F9F] =	sst s1;
	(tag) =	ssettag s2;
	_ =	strace s9  }
0x27: {  	s1 =	sld [smem:$0x3FAF]  }
0x28: {  	s2 =	sld [smem:$0x3FB0]  }
0x29: {  	s4 =	sld [smem:$0x3FB2]  }
0x2a: {  	p0 =	seq.s32 s5, $0x0;
	s5 =	sld [smem:$0x3FB3]  }
0x2b: {  	s6 =	sld [smem:$0x3FB4]  }
0x2c: {  	s7 =	sld [smem:$0x3FB5]  }
0x2d: {  	s3 =	simm.s32 $0x108;
	s8 =	sld [smem:$0x3FB6]  }
0x2e: {  	s3 =	simm.s32 @!p0 $0x1082;
	s9 =	sld [smem:$0x3FB7]  }
0x2f: {  	lr =	sadd.s32 s0, s3;
	s0 =	sld [smem:$0x3FAE]  }
0x30: {  	s3 =	sld [smem:$0x3FB1]  }
0x31: {  	[smem:$0x3FBA] =	sst s10  }
0x32: {  	s10 =	sld [smem:$0x3FB8];
	_ =	sdelay $0x3  }
0x33: {  	p0 =	seq.s32 s10, $0x1;
	s10 =	sld [smem:$0x3FBA];
	_ =	sdelay $0x3  }
0x34: {  	[smem:$0x3FBA] =	sst s10  }
0x35: {  	s10 =	sld [smem:$0x3FB9];
	_ =	sdelay $0x3  }
0x36: {  	p1 =	seq.s32 s10, $0x1;
	s10 =	sld [smem:$0x3FBA];
	_ =	sdelay $0x3  }
0x37: {  	[smem:$0x3FBA] =	sst s10  }
0x38: {  	s10 =	sld [smem:$0x3FBB]  }
0x39: {  	_ = 	snop;
	(pc) =	sbr.ind lr, $3  }
0x3a: {  	_ = 	snop  }
0x3b: {  	_ = 	snop  }
0x3c: {  	p2 =	seq.s32 s10, $0x1;
	s10 =	sld [smem:$0x3FBA]  }
0x3d: {  	_ =	shalt  }
0x3e: {  	_ =	shalt  }
0x3f: {  	_ =	shalt  }
0x40: {  	_ =	shalt  }
0x41: {  	_ =	shalt  }
0x42: {  	_ =	shalt  }
0x43: {  	_ =	shalt  }
0x44: {  	_ =	shalt  }
0x45: {  	_ =	shalt  }
0x46: {  	_ =	shalt  }
0x47: {  	_ =	shalt  }
0x48: {  	_ =	shalt  }
0x49: {  	_ =	shalt  }
0x4a: {  	_ =	shalt  }
0x4b: {  	_ =	shalt  }
0x4c: {  	_ =	shalt  }
0x4d: {  	_ =	shalt  }
0x4e: {  	_ =	shalt  }
0x4f: {  	_ =	shalt  }
0x50: {  	_ =	shalt  }
0x51: {  	_ =	shalt  }
0x52: {  	_ =	shalt  }
0x53: {  	_ =	shalt  }
0x54: {  	_ =	shalt  }
0x55: {  	_ =	shalt  }
0x56: {  	_ =	shalt  }
0x57: {  	_ =	shalt  }
0x58: {  	_ =	shalt  }
0x59: {  	_ =	shalt  }
0x5a: {  	_ =	shalt  }
0x5b: {  	_ =	shalt  }
0x5c: {  	_ =	shalt  }
0x5d: {  	_ =	shalt  }
0x5e: {  	_ =	shalt  }
0x5f: {  	_ =	shalt  }
0x60: {  	_ =	shalt  }
0x61: {  	_ =	shalt  }
0x62: {  	_ =	shalt  }
0x63: {  	_ =	shalt  }
0x64: {  	_ =	shalt  }
0x65: {  	_ =	shalt  }
0x66: {  	_ =	shalt  }
0x67: {  	_ =	shalt  }
0x68: {  	_ =	shalt  }
0x69: {  	_ =	shalt  }
0x6a: {  	_ =	shalt  }
0x6b: {  	_ =	shalt  }
0x6c: {  	_ =	shalt  }
0x6d: {  	_ =	shalt  }
0x6e: {  	_ =	shalt  }
0x6f: {  	_ =	shalt  }
0x70: {  	_ =	shalt  }
0x71: {  	_ =	shalt  }
0x72: {  	_ =	shalt  }
0x73: {  	_ =	shalt  }
0x74: {  	_ =	shalt  }
0x75: {  	_ =	shalt  }
0x76: {  	_ =	shalt  }
0x77: {  	_ =	shalt  }
0x78: {  	_ =	shalt  }
0x79: {  	_ =	shalt  }
0x7a: {  	_ =	shalt  }
0x7b: {  	_ =	shalt  }
0x7c: {  	_ =	shalt  }
0x7d: {  	_ =	shalt  }
0x7e: {  	_ =	shalt  }
0x7f: {  	_ =	shalt  }
0x80: {  	_ =	shalt  }
0x81: {  	_ =	shalt  }
0x82: {  	_ =	shalt  }
0x83: {  	_ =	shalt  }
0x84: {  	_ =	shalt  }
0x85: {  	_ =	shalt  }
0x86: {  	_ =	shalt  }
0x87: {  	_ =	shalt  }
.Lfunc_end0:
.L_simem_size_0:
called_computation_lowered:
.L_overlay_start_0:
0x88: {  	s2 =	sld [smem:$0x3FD9]  }
0x89: {  	s3 =	sld [smem:$0x3FFE];
	_ =	sdelay $0x1  }
0x8a: {  	s1 =	srdreg.scid  }
0x8b: {  	s0 =	sand.u32 $0x1, s1  }
0x8c: {  	s17 =	sshll.u32 s0, $0xA;
	s2 =	sadd.s32 s3, s2  }
0x8d: {  	s2 =	sadd.s32 s2, s17  }
0x8e: {  	[smem:$0x3FC6] =	sst s2  }
0x8f: {  	_ = 	snop  }
0x90: {  	s2 =	sld [smem:$0x3FC9]  }
0x91: {  	s18 =	sld [smem:$0x3FD0];
	(tm) =	ssettm $0x1  }
0x92: {  	s4 =	sld [smem:$0x3FFB];
	_ =	sdelay $0x3  }
0x93: {  	_ =	strace s4  }
0x94: {  	s4 =	sld [smem:$0x3FFC];
	_ =	sdelay $0x3  }
0x95: {  	_ =	strace s4  }
0x96: {  	s4 =	sld [smem:$0x3FFD];
	_ =	sdelay $0x3  }
0x97: {  	_ =	strace s4  }
0x98: {  	_ =	strace $0x8FFFFFFF  }
0x99: {  	s19 =	sld [smem:$0x3FDB];
	_ =	sdelay $0x1  }
0x9a: {  	s5 =	simm.s32 $_scs_section_size  }
0x9b: {  	s6 =	simm.s32 $_size__tile_overlayer_lowered;
	s7 =	simm.s32 $_tile_overlayer_lowered  }
0x9c: {  	s22 =	simm.s32 $0x1BFF;
	s21 =	sshll.u32 s7, $0x1;
	s4 =	sadd.s32 s5, s19  }
0x9d: {  	s8 =	simm.s32 $0x0;
	s20 =	sshll.u32 s6, $0x1;
	s6 =	sadd.s32 s21, s4  }
0x9e: {  	[timem:s8], [sflag:s22] =	dma.local [hbm:s6], s20  }
0x9f: {  	_ =	swait.ge [sflag:s22], s20  }
0xa0: {  	s5 =	ssub.s32 $0x0, s20;
	[sflag:s22] =	ssyncset.done $0x0  }
0xa1: {  	[sflag:s22] =	ssyncadd.s32 s5;
	_ =	sdelay $0x1  }
0xa2: {  	s23 =	simm.s32 $0x1B8B  }
0xa3: {  	_ =	swait.ge [sflag:s23], $0x1  }
0xa4: {  	[sflag:s23] =	ssyncset.done $0x0  }
0xa5: {  	s25 =	simm.s32 $0x1B8E;
	s24 =	sld [smem:$0x3FFE];
	[sflag:s23] =	ssyncadd.s32 $0xFFFFFFFF  }
0xa6: {  	s26 =	simm.s32 $execute0_lowered;
	[smem:$0x3FD2] =	sst s25  }
0xa7: {  	s6 =	sshll.u32 s26, $0x1;
	_ =	strace $0x80000046;
	[dreg:$0x1] =	wrdreg $0xFFFFFFFF  }
0xa8: {  	s28 =	simm.s32 $_size_execute0_lowered;
	s4 =	sadd.s32 s4, s6;
	[dreg:$0x0] =	wrdreg $0x0  }
0xa9: {  	s6 =	sshll.u32 s28, $0x1;
	[dreg:$0x2] =	wrdreg s4  }
0xaa: {  	[dreg:$0x3] =	wrdreg s6  }
0xab: {  	[dreg:$0x4] =	wrdreg $0xC0  }
0xac: {  	_ =	task [dreg:s8], $0x5FFFF  }
0xad: {  	[dreg:$0x1] =	wrdreg $0xFFFFFFFF  }
0xae: {  	[dreg:$0x0] =	wrdreg $0x60  }
0xaf: {  	[dreg:$0x2] =	wrdreg s2  }
0xb0: {  	[dreg:$0x3] =	wrdreg s24  }
0xb1: {  	[dreg:$0x4] =	wrdreg s18  }
0xb2: {  	[dreg:$0x5] =	wrdreg $0x0  }
0xb3: {  	[dreg:$0x6] =	wrdreg $0x9  }
0xb4: {  	_ =	task.clear_ibuf [dreg:s8], $0x7FFFF;
	_ =	strace $0x90000046  }
0xb5: {  	s29 =	simm.s32 $0x9;
	_ =	strace $0x80000048  }
0xb6: {  	_ =	swait.ge [sflag:s29], $0x1  }
0xb7: {  	[sflag:s29] =	ssyncadd.s32 $0xFFFFFFFF  }
0xb8: {  	_ =	strace $0x90000048  }
0xb9: {  	_ =	sfence  }
0xba: {  	s30 =	sld [smem:$0x0];
	_ =	sdelay $0x2  }
0xbb: {  	s31 =	sshll.u32 s1, $0xD;
	s1 =	sshrl.u32 s1, $0x2  }
0xbc: {  	s3 =	sand.u32 $0x4000, s31;
	s1 =	sadd.s32 s1, s30  }
0xbd: {  	s0 =	sor.u32 s3, s0;
	s1 =	sshll.u32 s1, $0x11  }
0xbe: {  	s0 =	sor.u32 s1, s0  }
0xbf: {  	s0 =	sadd.s32 $0x8F2B, s0  }
0xc0: {  	[sflag:s0] =	ssyncadd.remote.s32 $0x1  }
0xc1: {  	_ =	sfence.sel $0xFFFF  }
0xc2: {  	[dreg:$0x0] =	wrdreg $0xFFFFFFFF;
	(pc) =	sbr.abs _section_cstart, $3  }
0xc3: {  	[dreg:$0x1] =	wrdreg $0xFFFFFFFF  }
0xc4: {  	_ =	task.clear_ibuf [dreg:s8], $0x2FFFF;
	_ =	strace $0x9FFFFFFF  }
0xc5: {  	(tm) =	ssettm $0x7FFFFFFF  }
tec
execute0_lowered:
.L_overlay_start_1:
0x0: {  	(tag) =	ssettag $0x1  }
0x1: {  	s0 =	rddreg [dreg:$0x0]  }
0x2: {  	s1 =	rddreg [dreg:$0x1]  }
0x3: {  	s4 =	rddreg [dreg:$0x2]  }
0x4: {  	s2 =	rddreg [dreg:$0x3]  }
0x5: {  	s11 =	stileid.u32;
	s5 =	srdreg.scid  }
0x6: {  	s3 =	simm.s32 $0x0;
	s12 =	simm.s32 $0x9;
	s14 =	simm.s32 $0x80  }
0x7: {  	s15 =	simm.s32 $0x8C00;
	s28 =	simm.s32 $0x2;
	s30 =	simm.s32 $0x3  }
0x8: {  	s29 =	simm.s32 $0x0;
	s16 =	simm.s32 $0x7A00;
	s17 =	simm.s32 $0x7A80  }
0x9: {  	s18 =	simm.s32 $0x7B00;
	s19 =	simm.s32 $0x7B80;
	s6 =	smul.u32 $0x7800, s11  }
0xa: {  	s13 =	simm.s32 $0x7F00;
	s5 =	sand.u32 $0x1, s5;
	s21 =	smul.u32 $0x1E000, s11  }
0xb: {  	[smem:$0x7FF] =	sst s3;
	s20 =	sshll.u32 s11, $0x6;
	s26 =	smul.u32 $0xF00, s11  }
0xc: {  	s11 =	simm.s32 $0x7980;
	s7 =	ssub.s32 $0x2, s5;
	s8 =	smul.u32 $0x3C00, s5  }
0xd: {  	_ =	strace $0x80000047;
	s5 =	smul.u32 $0xF000, s5;
	s22 =	sor.u32 $0x1C09, s20  }
0xe: {  	s20 =	simm.s32 $0x7C00;
	s9 =	sshrl.u32 s6, $0x3;
	s10 =	sshrl.u32 s7, $0x1  }
0xf: {  	[dreg:$0x7] =	wrdreg s22;
	s22 =	simm.s32 $0x7D00;
	s1 =	sadd.s32 s9, s1  }
0x10: {  	s7 =	ssub.s32 s7, s10;
	s8 =	sadd.s32 s8, s6;
	s6 =	sadd.s32 s6, s2  }
0x11: {  	s4 =	sadd.s32 s4, s5;
	s5 =	simm.s32 $0x5;
	s1 =	sadd.s32 $0x400, s1  }
0x12: {  	s9 =	simm.s32 $0x7;
	s25 =	smax.u32 s7, $0x1;
	[dreg:$0x6] =	wrdreg s1  }
0x13: {  	s8 =	sshrl.u32 s8, $0x3;
	s31 =	sshrl.u32 s6, $0x3;
	[dreg:$0xa] =	wrdreg s25  }
0x14: {  	s7 =	simm.s32 $0x6;
	s8 =	sadd.s32 s0, s8;
	[dreg:$0xb] =	wrdreg s31  }
0x15: {  	s0 =	sshrl.u32 s21, $0x2;
	s23 =	sadd.s32 $0x280, s8;
	[dreg:$0x5] =	wrdreg s8  }
0x16: {  	s25 =	simm.s32 $0x1;
	s24 =	sadd.s32 $0x500, s8;
	[dreg:$0x8] =	wrdreg s23  }
0x17: {  	s21 =	simm.s32 $0x7C80;
	s0 =	sadd.s32 s0, s2;
	[dreg:$0x9] =	wrdreg s24  }
0x18: {  	[dreg:$0xc] =	wrdreg s0;
	s24 =	sadd.s32 s4, s26;
	s0 =	simm.s32 $0x4  }
0x19: {  	v0 =	vimm.f32 $1.000000000e+00;
	s4 =	simm.s32 $0x8;
	s23 =	simm.s32 $0x7D80;
	s26 =	simm.s32 $0x7E00  }
.LBB2_1:
0x1a: {  	s6 =	rddreg [dreg:$0x6]  }
0x1b: {  	s10 =	rddreg [dreg:$0x7]  }
0x1c: {  	s31 =	rddreg [dreg:$0xb]  }
0x1d: {  	[spmem:s31], [sflag:s10] =	dma.local [hbm:s6], $0xF00  }
0x1e: {  	_ =	swait.ge [sflag:s12], $0xF00  }
0x1f: {  	[sflag:s12] =	ssyncset.done $0x0  }
0x20: {  	s10 =	simm.s32 $0x40;
	s31 =	simm.s32 $0x0;
	[sflag:s12] =	ssyncadd.s32 $0xFFFFF100  }
.LBB2_2:
0x21: {  	p0 =	sne.s32 s10, $0x1FC0;
	[tilespmem:s31+$0x8C00] =	vst v0;
	s31 =	smov.u32 s10;
	s10 =	sadd.s32 $0x40, s10  }
.Ltmp0:
0x22: {  	(pc) =	sbr.rel @p0 .LBB2_2-.Ltmp0, $2  }
0x23: {  	_ =	sdelay $0x2  }
0x24: {  	s31 =	sshra.s32 s31, $0x2  }
0x25: {  	[tilespmem:s31+$0x8C00] =	vst v0  }
0x26: {  	[bflag:$0x0] =	sbarrier.arrive $0xFFFF  }
0x27: {  	s8 =	simm.s32 $0x0;
	s1 =	simm.s32 $0x7800;
	s6 =	rddreg [dreg:$0x5]  }
0x28: {  	[tilespmem:s1], [sflag:$0x9] =	stream.linear.gather [hbm4b:s6+s8], $0x1400, $0x38;
	[tilespmem:$0x9400] =	vst v63  }
0x29: {  	_ =	swait.ge [sflag:s12], $0x1400  }
0x2a: {  	[sflag:s12] =	ssyncset.done $0x0  }
0x2b: {  	[sflag:s12] =	ssyncadd.s32 $0xFFFFEC00  }
0x2c: {  	[spmem:s2] =	stream.indirect.scatter.add.f32 [tilespmem:s15], [sflag:$0x1], $0x10, s1, s14, $0xb8;
	[tilespmem:$0x9400] =	vst v63  }
0x2d: {  	s10 =	simm.s32 $0x7880  }
0x2e: {  	[spmem:s2] =	stream.indirect.scatter.add.f32 [tilespmem:s15], [sflag:$0x2], $0x10, s10, s14, $0xb8;
	[tilespmem:$0x9400] =	vst v63  }
0x2f: {  	s8 =	simm.s32 $0x7900  }
0x30: {  	[spmem:s2] =	stream.indirect.scatter.add.f32 [tilespmem:s15], [sflag:$0x3], $0x10, s8, s14, $0xb8;
	[tilespmem:$0x9400] =	vst v63  }
0x31: {  	_ = 	snop  }
0x32: {  	[spmem:s2] =	stream.indirect.scatter.add.f32 [tilespmem:s15], [sflag:$0x4], $0x10, s11, s14, $0xb8;
	[tilespmem:$0x9400] =	vst v63  }
0x33: {  	_ = 	snop  }
0x34: {  	[spmem:s2] =	stream.indirect.scatter.add.f32 [tilespmem:s15], [sflag:$0x5], $0x10, s16, s14, $0xb8;
	[tilespmem:$0x9400] =	vst v63  }
0x35: {  	_ = 	snop  }
0x36: {  	[spmem:s2] =	stream.indirect.scatter.add.f32 [tilespmem:s15], [sflag:$0x6], $0x10, s17, s14, $0xb8;
	[tilespmem:$0x9400] =	vst v63  }
0x37: {  	_ = 	snop  }
0x38: {  	[spmem:s2] =	stream.indirect.scatter.add.f32 [tilespmem:s15], [sflag:$0x7], $0x10, s18, s14, $0xb8;
	[tilespmem:$0x9400] =	vst v63  }
0x39: {  	_ = 	snop  }
0x3a: {  	[spmem:s2] =	stream.indirect.scatter.add.f32 [tilespmem:s15], [sflag:$0x8], $0x10, s19, s14, $0xb8;
	[tilespmem:$0x9400] =	vst v63  }
0x3b: {  	_ = 	snop  }
0x3c: {  	[spmem:s2] =	stream.indirect.scatter.add.f32 [tilespmem:s15], [sflag:$0x1], $0x10, s20, s14, $0xb8;
	[tilespmem:$0x9400] =	vst v63  }
0x3d: {  	_ =	swait.ge [sflag:s25], $0x800  }
0x3e: {  	[sflag:s25] =	ssyncset.done $0x0  }
0x3f: {  	[sflag:s25] =	ssyncadd.s32 $0xFFFFF800  }
0x40: {  	[spmem:s2] =	stream.indirect.scatter.add.f32 [tilespmem:s15], [sflag:$0x2], $0x10, s21, s14, $0xb8;
	[tilespmem:$0x9400] =	vst v63  }
0x41: {  	_ =	swait.ge [sflag:s28], $0x800  }
0x42: {  	[sflag:s28] =	ssyncset.done $0x0  }
0x43: {  	[sflag:s28] =	ssyncadd.s32 $0xFFFFF800  }
0x44: {  	[spmem:s2] =	stream.indirect.scatter.add.f32 [tilespmem:s15], [sflag:$0x3], $0x10, s22, s14, $0xb8;
	[tilespmem:$0x9400] =	vst v63  }
0x45: {  	_ =	swait.ge [sflag:s30], $0x800  }
0x46: {  	[sflag:s30] =	ssyncset.done $0x0  }
0x47: {  	[sflag:s30] =	ssyncadd.s32 $0xFFFFF800  }
0x48: {  	[spmem:s2] =	stream.indirect.scatter.add.f32 [tilespmem:s15], [sflag:$0x4], $0x10, s23, s14, $0xb8;
	[tilespmem:$0x9400] =	vst v63  }
0x49: {  	_ =	swait.ge [sflag:s0], $0x800  }
0x4a: {  	[sflag:s0] =	ssyncset.done $0x0  }
0x4b: {  	[sflag:s0] =	ssyncadd.s32 $0xFFFFF800  }
0x4c: {  	[spmem:s2] =	stream.indirect.scatter.add.f32 [tilespmem:s15], [sflag:$0x5], $0x10, s26, s14, $0xb8;
	[tilespmem:$0x9400] =	vst v63  }
0x4d: {  	_ =	swait.ge [sflag:s5], $0x800  }
0x4e: {  	[sflag:s5] =	ssyncset.done $0x0  }
0x4f: {  	s31 =	simm.s32 $0x7E80;
	[sflag:s5] =	ssyncadd.s32 $0xFFFFF800  }
0x50: {  	[spmem:s2] =	stream.indirect.scatter.add.f32 [tilespmem:s15], [sflag:$0x6], $0x10, s31, s14, $0xb8;
	[tilespmem:$0x9400] =	vst v63  }
0x51: {  	_ =	swait.ge [sflag:s7], $0x800  }
0x52: {  	[sflag:s7] =	ssyncset.done $0x0  }
0x53: {  	[sflag:s7] =	ssyncadd.s32 $0xFFFFF800  }
0x54: {  	[spmem:s2] =	stream.indirect.scatter.add.f32 [tilespmem:s15], [sflag:$0x7], $0x10, s13, s14, $0xb8;
	[tilespmem:$0x9400] =	vst v63  }
0x55: {  	_ =	swait.ge [sflag:s9], $0x800  }
0x56: {  	[sflag:s9] =	ssyncset.done $0x0  }
0x57: {  	s8 =	simm.s32 $0x7F80;
	[sflag:s9] =	ssyncadd.s32 $0xFFFFF800  }
0x58: {  	[spmem:s2] =	stream.indirect.scatter.add.f32 [tilespmem:s15], [sflag:$0x8], $0x10, s8, s14, $0xb8;
	[tilespmem:$0x9400] =	vst v63  }
0x59: {  	_ =	swait.ge [sflag:s4], $0x800  }
0x5a: {  	[sflag:s4] =	ssyncset.done $0x0  }
0x5b: {  	s8 =	simm.s32 $0x8000;
	[sflag:s4] =	ssyncadd.s32 $0xFFFFF800  }
0x5c: {  	[spmem:s2] =	stream.indirect.scatter.add.f32 [tilespmem:s15], [sflag:$0x1], $0x10, s8, s14, $0xb8;
	[tilespmem:$0x9400] =	vst v63  }
0x5d: {  	_ =	swait.ge [sflag:s25], $0x800  }
0x5e: {  	[sflag:s25] =	ssyncset.done $0x0  }
0x5f: {  	s8 =	simm.s32 $0x8080;
	[sflag:s25] =	ssyncadd.s32 $0xFFFFF800  }
0x60: {  	[spmem:s2] =	stream.indirect.scatter.add.f32 [tilespmem:s15], [sflag:$0x2], $0x10, s8, s14, $0xb8;
	[tilespmem:$0x9400] =	vst v63  }
0x61: {  	_ =	swait.ge [sflag:s28], $0x800  }
0x62: {  	[sflag:s28] =	ssyncset.done $0x0  }
0x63: {  	s8 =	simm.s32 $0x8100;
	[sflag:s28] =	ssyncadd.s32 $0xFFFFF800  }
0x64: {  	[spmem:s2] =	stream.indirect.scatter.add.f32 [tilespmem:s15], [sflag:$0x3], $0x10, s8, s14, $0xb8;
	[tilespmem:$0x9400] =	vst v63  }
0x65: {  	_ =	swait.ge [sflag:s30], $0x800  }
0x66: {  	[sflag:s30] =	ssyncset.done $0x0  }
0x67: {  	s8 =	simm.s32 $0x8180;
	[sflag:s30] =	ssyncadd.s32 $0xFFFFF800  }
0x68: {  	[spmem:s2] =	stream.indirect.scatter.add.f32 [tilespmem:s15], [sflag:$0x4], $0x10, s8, s14, $0xb8;
	[tilespmem:$0x9400] =	vst v63  }
0x69: {  	_ =	swait.ge [sflag:s0], $0x800  }
0x6a: {  	[sflag:s0] =	ssyncset.done $0x0  }
0x6b: {  	s8 =	simm.s32 $0x8200;
	[sflag:s0] =	ssyncadd.s32 $0xFFFFF800  }
0x6c: {  	[spmem:s2] =	stream.indirect.scatter.add.f32 [tilespmem:s15], [sflag:$0x5], $0x10, s8, s14, $0xb8;
	[tilespmem:$0x9400] =	vst v63  }
0x6d: {  	_ =	swait.ge [sflag:s5], $0x800  }
0x6e: {  	[sflag:s5] =	ssyncset.done $0x0  }
0x6f: {  	s8 =	simm.s32 $0x8280;
	[sflag:s5] =	ssyncadd.s32 $0xFFFFF800  }
0x70: {  	[spmem:s2] =	stream.indirect.scatter.add.f32 [tilespmem:s15], [sflag:$0x6], $0x10, s8, s14, $0xb8;
	[tilespmem:$0x9400] =	vst v63  }
0x71: {  	_ =	swait.ge [sflag:s7], $0x800  }
0x72: {  	[sflag:s7] =	ssyncset.done $0x0  }
0x73: {  	s8 =	simm.s32 $0x8300;
	[sflag:s7] =	ssyncadd.s32 $0xFFFFF800  }
0x74: {  	[spmem:s2] =	stream.indirect.scatter.add.f32 [tilespmem:s15], [sflag:$0x7], $0x10, s8, s14, $0xb8;
	[tilespmem:$0x9400] =	vst v63  }
0x75: {  	_ =	swait.ge [sflag:s9], $0x800  }
0x76: {  	[sflag:s9] =	ssyncset.done $0x0  }
0x77: {  	s8 =	simm.s32 $0x8380;
	[sflag:s9] =	ssyncadd.s32 $0xFFFFF800  }
0x78: {  	[spmem:s2] =	stream.indirect.scatter.add.f32 [tilespmem:s15], [sflag:$0x8], $0x10, s8, s14, $0xb8;
	[tilespmem:$0x9400] =	vst v63  }
0x79: {  	_ =	swait.ge [sflag:s4], $0x800  }
0x7a: {  	[sflag:s4] =	ssyncset.done $0x0  }
0x7b: {  	s8 =	simm.s32 $0x8400;
	[sflag:s4] =	ssyncadd.s32 $0xFFFFF800  }
0x7c: {  	[spmem:s2] =	stream.indirect.scatter.add.f32 [tilespmem:s15], [sflag:$0x1], $0x10, s8, s14, $0xb8;
	[tilespmem:$0x9400] =	vst v63  }
0x7d: {  	_ =	swait.ge [sflag:s25], $0x800  }
0x7e: {  	[sflag:s25] =	ssyncset.done $0x0  }
0x7f: {  	s8 =	simm.s32 $0x8480;
	[sflag:s25] =	ssyncadd.s32 $0xFFFFF800  }
0x80: {  	[spmem:s2] =	stream.indirect.scatter.add.f32 [tilespmem:s15], [sflag:$0x2], $0x10, s8, s14, $0xb8;
	[tilespmem:$0x9400] =	vst v63  }
0x81: {  	_ =	swait.ge [sflag:s28], $0x800  }
0x82: {  	[sflag:s28] =	ssyncset.done $0x0  }
0x83: {  	s8 =	simm.s32 $0x8500;
	[sflag:s28] =	ssyncadd.s32 $0xFFFFF800  }
0x84: {  	[spmem:s2] =	stream.indirect.scatter.add.f32 [tilespmem:s15], [sflag:$0x3], $0x10, s8, s14, $0xb8;
	[tilespmem:$0x9400] =	vst v63  }
0x85: {  	_ =	swait.ge [sflag:s30], $0x800  }
0x86: {  	[sflag:s30] =	ssyncset.done $0x0  }
0x87: {  	s8 =	simm.s32 $0x8580;
	[sflag:s30] =	ssyncadd.s32 $0xFFFFF800  }
0x88: {  	[spmem:s2] =	stream.indirect.scatter.add.f32 [tilespmem:s15], [sflag:$0x4], $0x10, s8, s14, $0xb8;
	[tilespmem:$0x9400] =	vst v63  }
0x89: {  	_ =	swait.ge [sflag:s0], $0x800  }
0x8a: {  	[sflag:s0] =	ssyncset.done $0x0  }
0x8b: {  	s8 =	simm.s32 $0x8600;
	[sflag:s0] =	ssyncadd.s32 $0xFFFFF800  }
0x8c: {  	[spmem:s2] =	stream.indirect.scatter.add.f32 [tilespmem:s15], [sflag:$0x5], $0x10, s8, s14, $0xb8;
	[tilespmem:$0x9400] =	vst v63  }
0x8d: {  	_ =	swait.ge [sflag:s5], $0x800  }
0x8e: {  	[sflag:s5] =	ssyncset.done $0x0  }
0x8f: {  	s8 =	simm.s32 $0x8680;
	[sflag:s5] =	ssyncadd.s32 $0xFFFFF800  }
0x90: {  	[spmem:s2] =	stream.indirect.scatter.add.f32 [tilespmem:s15], [sflag:$0x6], $0x10, s8, s14, $0xb8;
	[tilespmem:$0x9400] =	vst v63  }
0x91: {  	_ =	swait.ge [sflag:s7], $0x800  }
0x92: {  	[sflag:s7] =	ssyncset.done $0x0  }
0x93: {  	s8 =	simm.s32 $0x8700;
	[sflag:s7] =	ssyncadd.s32 $0xFFFFF800  }
0x94: {  	[spmem:s2] =	stream.indirect.scatter.add.f32 [tilespmem:s15], [sflag:$0x7], $0x10, s8, s14, $0xb8;
	[tilespmem:$0x9400] =	vst v63  }
0x95: {  	_ =	swait.ge [sflag:s9], $0x800  }
0x96: {  	[sflag:s9] =	ssyncset.done $0x0  }
0x97: {  	s8 =	simm.s32 $0x8780;
	[sflag:s9] =	ssyncadd.s32 $0xFFFFF800  }
0x98: {  	[spmem:s2] =	stream.indirect.scatter.add.f32 [tilespmem:s15], [sflag:$0x8], $0x10, s8, s14, $0xb8;
	[tilespmem:$0x9400] =	vst v63  }
0x99: {  	_ =	swait.ge [sflag:s4], $0x800  }
0x9a: {  	[sflag:s4] =	ssyncset.done $0x0  }
0x9b: {  	s8 =	simm.s32 $0x8800;
	[sflag:s4] =	ssyncadd.s32 $0xFFFFF800  }
0x9c: {  	[spmem:s2] =	stream.indirect.scatter.add.f32 [tilespmem:s15], [sflag:$0x1], $0x10, s8, s14, $0xb8;
	[tilespmem:$0x9400] =	vst v63  }
0x9d: {  	_ =	swait.ge [sflag:s25], $0x800  }
0x9e: {  	[sflag:s25] =	ssyncset.done $0x0  }
0x9f: {  	s8 =	simm.s32 $0x8880;
	[sflag:s25] =	ssyncadd.s32 $0xFFFFF800  }
0xa0: {  	[spmem:s2] =	stream.indirect.scatter.add.f32 [tilespmem:s15], [sflag:$0x2], $0x10, s8, s14, $0xb8;
	[tilespmem:$0x9400] =	vst v63  }
0xa1: {  	_ =	swait.ge [sflag:s28], $0x800  }
0xa2: {  	[sflag:s28] =	ssyncset.done $0x0  }
0xa3: {  	s8 =	simm.s32 $0x8900;
	[sflag:s28] =	ssyncadd.s32 $0xFFFFF800  }
0xa4: {  	[spmem:s2] =	stream.indirect.scatter.add.f32 [tilespmem:s15], [sflag:$0x3], $0x10, s8, s14, $0xb8;
	[tilespmem:$0x9400] =	vst v63  }
0xa5: {  	_ =	swait.ge [sflag:s30], $0x800  }
0xa6: {  	[sflag:s30] =	ssyncset.done $0x0  }
0xa7: {  	s8 =	simm.s32 $0x8980;
	[sflag:s30] =	ssyncadd.s32 $0xFFFFF800  }
0xa8: {  	[spmem:s2] =	stream.indirect.scatter.add.f32 [tilespmem:s15], [sflag:$0x4], $0x10, s8, s14, $0xb8;
	[tilespmem:$0x9400] =	vst v63  }
0xa9: {  	_ =	swait.ge [sflag:s0], $0x800  }
0xaa: {  	[sflag:s0] =	ssyncset.done $0x0  }
0xab: {  	s8 =	simm.s32 $0x8A00;
	[sflag:s0] =	ssyncadd.s32 $0xFFFFF800  }
0xac: {  	[spmem:s2] =	stream.indirect.scatter.add.f32 [tilespmem:s15], [sflag:$0x5], $0x10, s8, s14, $0xb8;
	[tilespmem:$0x9400] =	vst v63  }
0xad: {  	_ =	swait.ge [sflag:s5], $0x800  }
0xae: {  	[sflag:s5] =	ssyncset.done $0x0  }
0xaf: {  	s8 =	simm.s32 $0x8A80;
	[sflag:s5] =	ssyncadd.s32 $0xFFFFF800  }
0xb0: {  	[spmem:s2] =	stream.indirect.scatter.add.f32 [tilespmem:s15], [sflag:$0x6], $0x10, s8, s14, $0xb8;
	[tilespmem:$0x9400] =	vst v63  }
0xb1: {  	_ =	swait.ge [sflag:s7], $0x800  }
0xb2: {  	[sflag:s7] =	ssyncset.done $0x0  }
0xb3: {  	s8 =	simm.s32 $0x8B00;
	[sflag:s7] =	ssyncadd.s32 $0xFFFFF800  }
0xb4: {  	[spmem:s2] =	stream.indirect.scatter.add.f32 [tilespmem:s15], [sflag:$0x7], $0x10, s8, s14, $0xb8;
	[tilespmem:$0x9400] =	vst v63  }
0xb5: {  	_ =	swait.ge [sflag:s9], $0x800  }
0xb6: {  	[sflag:s9] =	ssyncset.done $0x0  }
0xb7: {  	s8 =	simm.s32 $0x8B80;
	[sflag:s9] =	ssyncadd.s32 $0xFFFFF800  }
0xb8: {  	[spmem:s2] =	stream.indirect.scatter.add.f32 [tilespmem:s15], [sflag:$0x8], $0x10, s8, s14, $0xb8;
	[tilespmem:$0x9400] =	vst v63  }
0xb9: {  	_ =	swait.ge [sflag:s4], $0x800  }
0xba: {  	[sflag:s4] =	ssyncset.done $0x0  }
0xbb: {  	[sflag:s4] =	ssyncadd.s32 $0xFFFFF800  }
0xbc: {  	_ =	swait.ge [sflag:s25], $0x800  }
0xbd: {  	[sflag:s25] =	ssyncset.done $0x0  }
0xbe: {  	[sflag:s25] =	ssyncadd.s32 $0xFFFFF800  }
0xbf: {  	_ =	swait.ge [sflag:s28], $0x800  }
0xc0: {  	[sflag:s28] =	ssyncset.done $0x0  }
0xc1: {  	[sflag:s28] =	ssyncadd.s32 $0xFFFFF800  }
0xc2: {  	_ =	swait.ge [sflag:s30], $0x800  }
0xc3: {  	[sflag:s30] =	ssyncset.done $0x0  }
0xc4: {  	[sflag:s30] =	ssyncadd.s32 $0xFFFFF800  }
0xc5: {  	_ =	swait.ge [sflag:s0], $0x800  }
0xc6: {  	[sflag:s0] =	ssyncset.done $0x0  }
0xc7: {  	[sflag:s0] =	ssyncadd.s32 $0xFFFFF800  }
0xc8: {  	_ =	swait.ge [sflag:s5], $0x800  }
0xc9: {  	[sflag:s5] =	ssyncset.done $0x0  }
0xca: {  	[sflag:s5] =	ssyncadd.s32 $0xFFFFF800  }
0xcb: {  	_ =	swait.ge [sflag:s7], $0x800  }
0xcc: {  	[sflag:s7] =	ssyncset.done $0x0  }
0xcd: {  	[sflag:s7] =	ssyncadd.s32 $0xFFFFF800  }
0xce: {  	_ =	swait.ge [sflag:s9], $0x800  }
0xcf: {  	[sflag:s9] =	ssyncset.done $0x0  }
0xd0: {  	[sflag:s9] =	ssyncadd.s32 $0xFFFFF800  }
0xd1: {  	_ =	swait.ge [sflag:s4], $0x800  }
0xd2: {  	[sflag:s4] =	ssyncset.done $0x0  }
0xd3: {  	s8 =	simm.s32 $0x0;
	s6 =	rddreg [dreg:$0x8];
	[sflag:s4] =	ssyncadd.s32 $0xFFFFF800  }
0xd4: {  	[tilespmem:s1], [sflag:$0x9] =	stream.linear.gather [hbm4b:s6+s8], $0x1400, $0x38;
	[tilespmem:$0x9400] =	vst v63  }
0xd5: {  	_ =	swait.ge [sflag:s12], $0x1400  }
0xd6: {  	[sflag:s12] =	ssyncset.done $0x0  }
0xd7: {  	[sflag:s12] =	ssyncadd.s32 $0xFFFFEC00  }
0xd8: {  	[spmem:s2] =	stream.indirect.scatter.add.f32 [tilespmem:s15], [sflag:$0x1], $0x10, s1, s14, $0xb8;
	[tilespmem:$0x9400] =	vst v63  }
0xd9: {  	s10 =	simm.s32 $0x7880  }
0xda: {  	[spmem:s2] =	stream.indirect.scatter.add.f32 [tilespmem:s15], [sflag:$0x2], $0x10, s10, s14, $0xb8;
	[tilespmem:$0x9400] =	vst v63  }
0xdb: {  	s8 =	simm.s32 $0x7900  }
0xdc: {  	[spmem:s2] =	stream.indirect.scatter.add.f32 [tilespmem:s15], [sflag:$0x3], $0x10, s8, s14, $0xb8;
	[tilespmem:$0x9400] =	vst v63  }
0xdd: {  	_ = 	snop  }
0xde: {  	[spmem:s2] =	stream.indirect.scatter.add.f32 [tilespmem:s15], [sflag:$0x4], $0x10, s11, s14, $0xb8;
	[tilespmem:$0x9400] =	vst v63  }
0xdf: {  	_ = 	snop  }
0xe0: {  	[spmem:s2] =	stream.indirect.scatter.add.f32 [tilespmem:s15], [sflag:$0x5], $0x10, s16, s14, $0xb8;
	[tilespmem:$0x9400] =	vst v63  }
0xe1: {  	_ = 	snop  }
0xe2: {  	[spmem:s2] =	stream.indirect.scatter.add.f32 [tilespmem:s15], [sflag:$0x6], $0x10, s17, s14, $0xb8;
	[tilespmem:$0x9400] =	vst v63  }
0xe3: {  	_ = 	snop  }
0xe4: {  	[spmem:s2] =	stream.indirect.scatter.add.f32 [tilespmem:s15], [sflag:$0x7], $0x10, s18, s14, $0xb8;
	[tilespmem:$0x9400] =	vst v63  }
0xe5: {  	_ = 	snop  }
0xe6: {  	[spmem:s2] =	stream.indirect.scatter.add.f32 [tilespmem:s15], [sflag:$0x8], $0x10, s19, s14, $0xb8;
	[tilespmem:$0x9400] =	vst v63  }
0xe7: {  	_ = 	snop  }
0xe8: {  	[spmem:s2] =	stream.indirect.scatter.add.f32 [tilespmem:s15], [sflag:$0x1], $0x10, s20, s14, $0xb8;
	[tilespmem:$0x9400] =	vst v63  }
0xe9: {  	_ =	swait.ge [sflag:s25], $0x800  }
0xea: {  	[sflag:s25] =	ssyncset.done $0x0  }
0xeb: {  	[sflag:s25] =	ssyncadd.s32 $0xFFFFF800  }
0xec: {  	[spmem:s2] =	stream.indirect.scatter.add.f32 [tilespmem:s15], [sflag:$0x2], $0x10, s21, s14, $0xb8;
	[tilespmem:$0x9400] =	vst v63  }
0xed: {  	_ =	swait.ge [sflag:s28], $0x800  }
0xee: {  	[sflag:s28] =	ssyncset.done $0x0  }
0xef: {  	[sflag:s28] =	ssyncadd.s32 $0xFFFFF800  }
0xf0: {  	[spmem:s2] =	stream.indirect.scatter.add.f32 [tilespmem:s15], [sflag:$0x3], $0x10, s22, s14, $0xb8;
	[tilespmem:$0x9400] =	vst v63  }
0xf1: {  	_ =	swait.ge [sflag:s30], $0x800  }
0xf2: {  	[sflag:s30] =	ssyncset.done $0x0  }
0xf3: {  	[sflag:s30] =	ssyncadd.s32 $0xFFFFF800  }
0xf4: {  	[spmem:s2] =	stream.indirect.scatter.add.f32 [tilespmem:s15], [sflag:$0x4], $0x10, s23, s14, $0xb8;
	[tilespmem:$0x9400] =	vst v63  }
0xf5: {  	_ =	swait.ge [sflag:s0], $0x800  }
0xf6: {  	[sflag:s0] =	ssyncset.done $0x0  }
0xf7: {  	[sflag:s0] =	ssyncadd.s32 $0xFFFFF800  }
0xf8: {  	[spmem:s2] =	stream.indirect.scatter.add.f32 [tilespmem:s15], [sflag:$0x5], $0x10, s26, s14, $0xb8;
	[tilespmem:$0x9400] =	vst v63  }
0xf9: {  	_ =	swait.ge [sflag:s5], $0x800  }
0xfa: {  	[sflag:s5] =	ssyncset.done $0x0  }
0xfb: {  	[sflag:s5] =	ssyncadd.s32 $0xFFFFF800  }
0xfc: {  	[spmem:s2] =	stream.indirect.scatter.add.f32 [tilespmem:s15], [sflag:$0x6], $0x10, s31, s14, $0xb8;
	[tilespmem:$0x9400] =	vst v63  }
0xfd: {  	_ =	swait.ge [sflag:s7], $0x800  }
0xfe: {  	[sflag:s7] =	ssyncset.done $0x0  }
0xff: {  	[sflag:s7] =	ssyncadd.s32 $0xFFFFF800  }
0x100: {  	[spmem:s2] =	stream.indirect.scatter.add.f32 [tilespmem:s15], [sflag:$0x7], $0x10, s13, s14, $0xb8;
	[tilespmem:$0x9400] =	vst v63  }
0x101: {  	_ =	swait.ge [sflag:s9], $0x800  }
0x102: {  	[sflag:s9] =	ssyncset.done $0x0  }
0x103: {  	s10 =	simm.s32 $0x7F80;
	[sflag:s9] =	ssyncadd.s32 $0xFFFFF800  }
0x104: {  	[spmem:s2] =	stream.indirect.scatter.add.f32 [tilespmem:s15], [sflag:$0x8], $0x10, s10, s14, $0xb8;
	[tilespmem:$0x9400] =	vst v63  }
0x105: {  	_ =	swait.ge [sflag:s4], $0x800  }
0x106: {  	[sflag:s4] =	ssyncset.done $0x0  }
0x107: {  	s10 =	simm.s32 $0x8000;
	[sflag:s4] =	ssyncadd.s32 $0xFFFFF800  }
0x108: {  	[spmem:s2] =	stream.indirect.scatter.add.f32 [tilespmem:s15], [sflag:$0x1], $0x10, s10, s14, $0xb8;
	[tilespmem:$0x9400] =	vst v63  }
0x109: {  	_ =	swait.ge [sflag:s25], $0x800  }
0x10a: {  	[sflag:s25] =	ssyncset.done $0x0  }
0x10b: {  	s10 =	simm.s32 $0x8080;
	[sflag:s25] =	ssyncadd.s32 $0xFFFFF800  }
0x10c: {  	[spmem:s2] =	stream.indirect.scatter.add.f32 [tilespmem:s15], [sflag:$0x2], $0x10, s10, s14, $0xb8;
	[tilespmem:$0x9400] =	vst v63  }
0x10d: {  	_ =	swait.ge [sflag:s28], $0x800  }
0x10e: {  	[sflag:s28] =	ssyncset.done $0x0  }
0x10f: {  	s10 =	simm.s32 $0x8100;
	[sflag:s28] =	ssyncadd.s32 $0xFFFFF800  }
0x110: {  	[spmem:s2] =	stream.indirect.scatter.add.f32 [tilespmem:s15], [sflag:$0x3], $0x10, s10, s14, $0xb8;
	[tilespmem:$0x9400] =	vst v63  }
0x111: {  	_ =	swait.ge [sflag:s30], $0x800  }
0x112: {  	[sflag:s30] =	ssyncset.done $0x0  }
0x113: {  	s10 =	simm.s32 $0x8180;
	[sflag:s30] =	ssyncadd.s32 $0xFFFFF800  }
0x114: {  	[spmem:s2] =	stream.indirect.scatter.add.f32 [tilespmem:s15], [sflag:$0x4], $0x10, s10, s14, $0xb8;
	[tilespmem:$0x9400] =	vst v63  }
0x115: {  	_ =	swait.ge [sflag:s0], $0x800  }
0x116: {  	[sflag:s0] =	ssyncset.done $0x0  }
0x117: {  	s10 =	simm.s32 $0x8200;
	[sflag:s0] =	ssyncadd.s32 $0xFFFFF800  }
0x118: {  	[spmem:s2] =	stream.indirect.scatter.add.f32 [tilespmem:s15], [sflag:$0x5], $0x10, s10, s14, $0xb8;
	[tilespmem:$0x9400] =	vst v63  }
0x119: {  	_ =	swait.ge [sflag:s5], $0x800  }
0x11a: {  	[sflag:s5] =	ssyncset.done $0x0  }
0x11b: {  	s10 =	simm.s32 $0x8280;
	[sflag:s5] =	ssyncadd.s32 $0xFFFFF800  }
0x11c: {  	[spmem:s2] =	stream.indirect.scatter.add.f32 [tilespmem:s15], [sflag:$0x6], $0x10, s10, s14, $0xb8;
	[tilespmem:$0x9400] =	vst v63  }
0x11d: {  	_ =	swait.ge [sflag:s7], $0x800  }
0x11e: {  	[sflag:s7] =	ssyncset.done $0x0  }
0x11f: {  	s10 =	simm.s32 $0x8300;
	[sflag:s7] =	ssyncadd.s32 $0xFFFFF800  }
0x120: {  	[spmem:s2] =	stream.indirect.scatter.add.f32 [tilespmem:s15], [sflag:$0x7], $0x10, s10, s14, $0xb8;
	[tilespmem:$0x9400] =	vst v63  }
0x121: {  	_ =	swait.ge [sflag:s9], $0x800  }
0x122: {  	[sflag:s9] =	ssyncset.done $0x0  }
0x123: {  	s10 =	simm.s32 $0x8380;
	[sflag:s9] =	ssyncadd.s32 $0xFFFFF800  }
0x124: {  	[spmem:s2] =	stream.indirect.scatter.add.f32 [tilespmem:s15], [sflag:$0x8], $0x10, s10, s14, $0xb8;
	[tilespmem:$0x9400] =	vst v63  }
0x125: {  	_ =	swait.ge [sflag:s4], $0x800  }
0x126: {  	[sflag:s4] =	ssyncset.done $0x0  }
0x127: {  	s10 =	simm.s32 $0x8400;
	[sflag:s4] =	ssyncadd.s32 $0xFFFFF800  }
0x128: {  	[spmem:s2] =	stream.indirect.scatter.add.f32 [tilespmem:s15], [sflag:$0x1], $0x10, s10, s14, $0xb8;
	[tilespmem:$0x9400] =	vst v63  }
0x129: {  	_ =	swait.ge [sflag:s25], $0x800  }
0x12a: {  	[sflag:s25] =	ssyncset.done $0x0  }
0x12b: {  	s10 =	simm.s32 $0x8480;
	[sflag:s25] =	ssyncadd.s32 $0xFFFFF800  }
0x12c: {  	[spmem:s2] =	stream.indirect.scatter.add.f32 [tilespmem:s15], [sflag:$0x2], $0x10, s10, s14, $0xb8;
	[tilespmem:$0x9400] =	vst v63  }
0x12d: {  	_ =	swait.ge [sflag:s28], $0x800  }
0x12e: {  	[sflag:s28] =	ssyncset.done $0x0  }
0x12f: {  	s10 =	simm.s32 $0x8500;
	[sflag:s28] =	ssyncadd.s32 $0xFFFFF800  }
0x130: {  	[spmem:s2] =	stream.indirect.scatter.add.f32 [tilespmem:s15], [sflag:$0x3], $0x10, s10, s14, $0xb8;
	[tilespmem:$0x9400] =	vst v63  }
0x131: {  	_ =	swait.ge [sflag:s30], $0x800  }
0x132: {  	[sflag:s30] =	ssyncset.done $0x0  }
0x133: {  	s10 =	simm.s32 $0x8580;
	[sflag:s30] =	ssyncadd.s32 $0xFFFFF800  }
0x134: {  	[spmem:s2] =	stream.indirect.scatter.add.f32 [tilespmem:s15], [sflag:$0x4], $0x10, s10, s14, $0xb8;
	[tilespmem:$0x9400] =	vst v63  }
0x135: {  	_ =	swait.ge [sflag:s0], $0x800  }
0x136: {  	[sflag:s0] =	ssyncset.done $0x0  }
0x137: {  	s10 =	simm.s32 $0x8600;
	[sflag:s0] =	ssyncadd.s32 $0xFFFFF800  }
0x138: {  	[spmem:s2] =	stream.indirect.scatter.add.f32 [tilespmem:s15], [sflag:$0x5], $0x10, s10, s14, $0xb8;
	[tilespmem:$0x9400] =	vst v63  }
0x139: {  	_ =	swait.ge [sflag:s5], $0x800  }
0x13a: {  	[sflag:s5] =	ssyncset.done $0x0  }
0x13b: {  	s10 =	simm.s32 $0x8680;
	[sflag:s5] =	ssyncadd.s32 $0xFFFFF800  }
0x13c: {  	[spmem:s2] =	stream.indirect.scatter.add.f32 [tilespmem:s15], [sflag:$0x6], $0x10, s10, s14, $0xb8;
	[tilespmem:$0x9400] =	vst v63  }
0x13d: {  	_ =	swait.ge [sflag:s7], $0x800  }
0x13e: {  	[sflag:s7] =	ssyncset.done $0x0  }
0x13f: {  	s10 =	simm.s32 $0x8700;
	[sflag:s7] =	ssyncadd.s32 $0xFFFFF800  }
0x140: {  	[spmem:s2] =	stream.indirect.scatter.add.f32 [tilespmem:s15], [sflag:$0x7], $0x10, s10, s14, $0xb8;
	[tilespmem:$0x9400] =	vst v63  }
0x141: {  	_ =	swait.ge [sflag:s9], $0x800  }
0x142: {  	[sflag:s9] =	ssyncset.done $0x0  }
0x143: {  	s10 =	simm.s32 $0x8780;
	[sflag:s9] =	ssyncadd.s32 $0xFFFFF800  }
0x144: {  	[spmem:s2] =	stream.indirect.scatter.add.f32 [tilespmem:s15], [sflag:$0x8], $0x10, s10, s14, $0xb8;
	[tilespmem:$0x9400] =	vst v63  }
0x145: {  	_ =	swait.ge [sflag:s4], $0x800  }
0x146: {  	[sflag:s4] =	ssyncset.done $0x0  }
0x147: {  	s10 =	simm.s32 $0x8800;
	[sflag:s4] =	ssyncadd.s32 $0xFFFFF800  }
0x148: {  	[spmem:s2] =	stream.indirect.scatter.add.f32 [tilespmem:s15], [sflag:$0x1], $0x10, s10, s14, $0xb8;
	[tilespmem:$0x9400] =	vst v63  }
0x149: {  	_ =	swait.ge [sflag:s25], $0x800  }
0x14a: {  	[sflag:s25] =	ssyncset.done $0x0  }
0x14b: {  	s10 =	simm.s32 $0x8880;
	[sflag:s25] =	ssyncadd.s32 $0xFFFFF800  }
0x14c: {  	[spmem:s2] =	stream.indirect.scatter.add.f32 [tilespmem:s15], [sflag:$0x2], $0x10, s10, s14, $0xb8;
	[tilespmem:$0x9400] =	vst v63  }
0x14d: {  	_ =	swait.ge [sflag:s28], $0x800  }
0x14e: {  	[sflag:s28] =	ssyncset.done $0x0  }
0x14f: {  	s10 =	simm.s32 $0x8900;
	[sflag:s28] =	ssyncadd.s32 $0xFFFFF800  }
0x150: {  	[spmem:s2] =	stream.indirect.scatter.add.f32 [tilespmem:s15], [sflag:$0x3], $0x10, s10, s14, $0xb8;
	[tilespmem:$0x9400] =	vst v63  }
0x151: {  	_ =	swait.ge [sflag:s30], $0x800  }
0x152: {  	[sflag:s30] =	ssyncset.done $0x0  }
0x153: {  	s10 =	simm.s32 $0x8980;
	[sflag:s30] =	ssyncadd.s32 $0xFFFFF800  }
0x154: {  	[spmem:s2] =	stream.indirect.scatter.add.f32 [tilespmem:s15], [sflag:$0x4], $0x10, s10, s14, $0xb8;
	[tilespmem:$0x9400] =	vst v63  }
0x155: {  	_ =	swait.ge [sflag:s0], $0x800  }
0x156: {  	[sflag:s0] =	ssyncset.done $0x0  }
0x157: {  	s10 =	simm.s32 $0x8A00;
	[sflag:s0] =	ssyncadd.s32 $0xFFFFF800  }
0x158: {  	[spmem:s2] =	stream.indirect.scatter.add.f32 [tilespmem:s15], [sflag:$0x5], $0x10, s10, s14, $0xb8;
	[tilespmem:$0x9400] =	vst v63  }
0x159: {  	_ =	swait.ge [sflag:s5], $0x800  }
0x15a: {  	[sflag:s5] =	ssyncset.done $0x0  }
0x15b: {  	s10 =	simm.s32 $0x8A80;
	[sflag:s5] =	ssyncadd.s32 $0xFFFFF800  }
0x15c: {  	[spmem:s2] =	stream.indirect.scatter.add.f32 [tilespmem:s15], [sflag:$0x6], $0x10, s10, s14, $0xb8;
	[tilespmem:$0x9400] =	vst v63  }
0x15d: {  	_ =	swait.ge [sflag:s7], $0x800  }
0x15e: {  	[sflag:s7] =	ssyncset.done $0x0  }
0x15f: {  	s10 =	simm.s32 $0x8B00;
	[sflag:s7] =	ssyncadd.s32 $0xFFFFF800  }
0x160: {  	[spmem:s2] =	stream.indirect.scatter.add.f32 [tilespmem:s15], [sflag:$0x7], $0x10, s10, s14, $0xb8;
	[tilespmem:$0x9400] =	vst v63  }
0x161: {  	_ =	swait.ge [sflag:s9], $0x800  }
0x162: {  	[sflag:s9] =	ssyncset.done $0x0  }
0x163: {  	s10 =	simm.s32 $0x8B80;
	[sflag:s9] =	ssyncadd.s32 $0xFFFFF800  }
0x164: {  	[spmem:s2] =	stream.indirect.scatter.add.f32 [tilespmem:s15], [sflag:$0x8], $0x10, s10, s14, $0xb8;
	[tilespmem:$0x9400] =	vst v63  }
0x165: {  	_ =	swait.ge [sflag:s4], $0x800  }
0x166: {  	[sflag:s4] =	ssyncset.done $0x0  }
0x167: {  	[sflag:s4] =	ssyncadd.s32 $0xFFFFF800  }
0x168: {  	_ =	swait.ge [sflag:s25], $0x800  }
0x169: {  	[sflag:s25] =	ssyncset.done $0x0  }
0x16a: {  	[sflag:s25] =	ssyncadd.s32 $0xFFFFF800  }
0x16b: {  	_ =	swait.ge [sflag:s28], $0x800  }
0x16c: {  	[sflag:s28] =	ssyncset.done $0x0  }
0x16d: {  	[sflag:s28] =	ssyncadd.s32 $0xFFFFF800  }
0x16e: {  	_ =	swait.ge [sflag:s30], $0x800  }
0x16f: {  	[sflag:s30] =	ssyncset.done $0x0  }
0x170: {  	[sflag:s30] =	ssyncadd.s32 $0xFFFFF800  }
0x171: {  	_ =	swait.ge [sflag:s0], $0x800  }
0x172: {  	[sflag:s0] =	ssyncset.done $0x0  }
0x173: {  	[sflag:s0] =	ssyncadd.s32 $0xFFFFF800  }
0x174: {  	_ =	swait.ge [sflag:s5], $0x800  }
0x175: {  	[sflag:s5] =	ssyncset.done $0x0  }
0x176: {  	[sflag:s5] =	ssyncadd.s32 $0xFFFFF800  }
0x177: {  	_ =	swait.ge [sflag:s7], $0x800  }
0x178: {  	[sflag:s7] =	ssyncset.done $0x0  }
0x179: {  	[sflag:s7] =	ssyncadd.s32 $0xFFFFF800  }
0x17a: {  	_ =	swait.ge [sflag:s9], $0x800  }
0x17b: {  	[sflag:s9] =	ssyncset.done $0x0  }
0x17c: {  	[sflag:s9] =	ssyncadd.s32 $0xFFFFF800  }
0x17d: {  	_ =	swait.ge [sflag:s4], $0x800  }
0x17e: {  	[sflag:s4] =	ssyncset.done $0x0  }
0x17f: {  	s10 =	simm.s32 $0x0;
	s6 =	rddreg [dreg:$0x9];
	[sflag:s4] =	ssyncadd.s32 $0xFFFFF800  }
0x180: {  	[tilespmem:s1], [sflag:$0x9] =	stream.linear.gather [hbm4b:s6+s10], $0x1400, $0x38;
	[tilespmem:$0x9400] =	vst v63  }
0x181: {  	_ =	swait.ge [sflag:s12], $0x1400  }
0x182: {  	[sflag:s12] =	ssyncset.done $0x0  }
0x183: {  	[sflag:s12] =	ssyncadd.s32 $0xFFFFEC00  }
0x184: {  	[spmem:s2] =	stream.indirect.scatter.add.f32 [tilespmem:s15], [sflag:$0x1], $0x10, s1, s14, $0xb8;
	[tilespmem:$0x9400] =	vst v63  }
0x185: {  	s6 =	simm.s32 $0x7880  }
0x186: {  	[spmem:s2] =	stream.indirect.scatter.add.f32 [tilespmem:s15], [sflag:$0x2], $0x10, s6, s14, $0xb8;
	[tilespmem:$0x9400] =	vst v63  }
0x187: {  	_ = 	snop  }
0x188: {  	[spmem:s2] =	stream.indirect.scatter.add.f32 [tilespmem:s15], [sflag:$0x3], $0x10, s8, s14, $0xb8;
	[tilespmem:$0x9400] =	vst v63  }
0x189: {  	_ = 	snop  }
0x18a: {  	[spmem:s2] =	stream.indirect.scatter.add.f32 [tilespmem:s15], [sflag:$0x4], $0x10, s11, s14, $0xb8;
	[tilespmem:$0x9400] =	vst v63  }
0x18b: {  	_ = 	snop  }
0x18c: {  	[spmem:s2] =	stream.indirect.scatter.add.f32 [tilespmem:s15], [sflag:$0x5], $0x10, s16, s14, $0xb8;
	[tilespmem:$0x9400] =	vst v63  }
0x18d: {  	_ = 	snop  }
0x18e: {  	[spmem:s2] =	stream.indirect.scatter.add.f32 [tilespmem:s15], [sflag:$0x6], $0x10, s17, s14, $0xb8;
	[tilespmem:$0x9400] =	vst v63  }
0x18f: {  	_ = 	snop  }
0x190: {  	[spmem:s2] =	stream.indirect.scatter.add.f32 [tilespmem:s15], [sflag:$0x7], $0x10, s18, s14, $0xb8;
	[tilespmem:$0x9400] =	vst v63  }
0x191: {  	_ = 	snop  }
0x192: {  	[spmem:s2] =	stream.indirect.scatter.add.f32 [tilespmem:s15], [sflag:$0x8], $0x10, s19, s14, $0xb8;
	[tilespmem:$0x9400] =	vst v63  }
0x193: {  	_ = 	snop  }
0x194: {  	[spmem:s2] =	stream.indirect.scatter.add.f32 [tilespmem:s15], [sflag:$0x1], $0x10, s20, s14, $0xb8;
	[tilespmem:$0x9400] =	vst v63  }
0x195: {  	_ =	swait.ge [sflag:s25], $0x800  }
0x196: {  	[sflag:s25] =	ssyncset.done $0x0  }
0x197: {  	[sflag:s25] =	ssyncadd.s32 $0xFFFFF800  }
0x198: {  	[spmem:s2] =	stream.indirect.scatter.add.f32 [tilespmem:s15], [sflag:$0x2], $0x10, s21, s14, $0xb8;
	[tilespmem:$0x9400] =	vst v63  }
0x199: {  	_ =	swait.ge [sflag:s28], $0x800  }
0x19a: {  	[sflag:s28] =	ssyncset.done $0x0  }
0x19b: {  	[sflag:s28] =	ssyncadd.s32 $0xFFFFF800  }
0x19c: {  	[spmem:s2] =	stream.indirect.scatter.add.f32 [tilespmem:s15], [sflag:$0x3], $0x10, s22, s14, $0xb8;
	[tilespmem:$0x9400] =	vst v63  }
0x19d: {  	_ =	swait.ge [sflag:s30], $0x800  }
0x19e: {  	[sflag:s30] =	ssyncset.done $0x0  }
0x19f: {  	[sflag:s30] =	ssyncadd.s32 $0xFFFFF800  }
0x1a0: {  	[spmem:s2] =	stream.indirect.scatter.add.f32 [tilespmem:s15], [sflag:$0x4], $0x10, s23, s14, $0xb8;
	[tilespmem:$0x9400] =	vst v63  }
0x1a1: {  	_ =	swait.ge [sflag:s0], $0x800  }
0x1a2: {  	[sflag:s0] =	ssyncset.done $0x0  }
0x1a3: {  	[sflag:s0] =	ssyncadd.s32 $0xFFFFF800  }
0x1a4: {  	[spmem:s2] =	stream.indirect.scatter.add.f32 [tilespmem:s15], [sflag:$0x5], $0x10, s26, s14, $0xb8;
	[tilespmem:$0x9400] =	vst v63  }
0x1a5: {  	_ =	swait.ge [sflag:s5], $0x800  }
0x1a6: {  	[sflag:s5] =	ssyncset.done $0x0  }
0x1a7: {  	[sflag:s5] =	ssyncadd.s32 $0xFFFFF800  }
0x1a8: {  	[spmem:s2] =	stream.indirect.scatter.add.f32 [tilespmem:s15], [sflag:$0x6], $0x10, s31, s14, $0xb8;
	[tilespmem:$0x9400] =	vst v63  }
0x1a9: {  	_ =	swait.ge [sflag:s7], $0x800  }
0x1aa: {  	[sflag:s7] =	ssyncset.done $0x0  }
0x1ab: {  	[sflag:s7] =	ssyncadd.s32 $0xFFFFF800  }
0x1ac: {  	[spmem:s2] =	stream.indirect.scatter.add.f32 [tilespmem:s15], [sflag:$0x7], $0x10, s13, s14, $0xb8;
	[tilespmem:$0x9400] =	vst v63  }
0x1ad: {  	_ =	swait.ge [sflag:s9], $0x800  }
0x1ae: {  	[sflag:s9] =	ssyncset.done $0x0  }
0x1af: {  	s10 =	simm.s32 $0x7F80;
	[sflag:s9] =	ssyncadd.s32 $0xFFFFF800  }
0x1b0: {  	[spmem:s2] =	stream.indirect.scatter.add.f32 [tilespmem:s15], [sflag:$0x8], $0x10, s10, s14, $0xb8;
	[tilespmem:$0x9400] =	vst v63  }
0x1b1: {  	_ =	swait.ge [sflag:s4], $0x800  }
0x1b2: {  	[sflag:s4] =	ssyncset.done $0x0  }
0x1b3: {  	s6 =	simm.s32 $0x8000;
	[sflag:s4] =	ssyncadd.s32 $0xFFFFF800  }
0x1b4: {  	[spmem:s2] =	stream.indirect.scatter.add.f32 [tilespmem:s15], [sflag:$0x1], $0x10, s6, s14, $0xb8;
	[tilespmem:$0x9400] =	vst v63  }
0x1b5: {  	_ =	swait.ge [sflag:s25], $0x800  }
0x1b6: {  	[sflag:s25] =	ssyncset.done $0x0  }
0x1b7: {  	s8 =	simm.s32 $0x8080;
	[sflag:s25] =	ssyncadd.s32 $0xFFFFF800  }
0x1b8: {  	[spmem:s2] =	stream.indirect.scatter.add.f32 [tilespmem:s15], [sflag:$0x2], $0x10, s8, s14, $0xb8;
	[tilespmem:$0x9400] =	vst v63  }
0x1b9: {  	_ =	swait.ge [sflag:s28], $0x800  }
0x1ba: {  	[sflag:s28] =	ssyncset.done $0x0  }
0x1bb: {  	s10 =	simm.s32 $0x8100;
	[sflag:s28] =	ssyncadd.s32 $0xFFFFF800  }
0x1bc: {  	[spmem:s2] =	stream.indirect.scatter.add.f32 [tilespmem:s15], [sflag:$0x3], $0x10, s10, s14, $0xb8;
	[tilespmem:$0x9400] =	vst v63  }
0x1bd: {  	_ =	swait.ge [sflag:s30], $0x800  }
0x1be: {  	[sflag:s30] =	ssyncset.done $0x0  }
0x1bf: {  	s6 =	simm.s32 $0x8180;
	[sflag:s30] =	ssyncadd.s32 $0xFFFFF800  }
0x1c0: {  	[spmem:s2] =	stream.indirect.scatter.add.f32 [tilespmem:s15], [sflag:$0x4], $0x10, s6, s14, $0xb8;
	[tilespmem:$0x9400] =	vst v63  }
0x1c1: {  	_ =	swait.ge [sflag:s0], $0x800  }
0x1c2: {  	[sflag:s0] =	ssyncset.done $0x0  }
0x1c3: {  	s8 =	simm.s32 $0x8200;
	[sflag:s0] =	ssyncadd.s32 $0xFFFFF800  }
0x1c4: {  	[spmem:s2] =	stream.indirect.scatter.add.f32 [tilespmem:s15], [sflag:$0x5], $0x10, s8, s14, $0xb8;
	[tilespmem:$0x9400] =	vst v63  }
0x1c5: {  	_ =	swait.ge [sflag:s5], $0x800  }
0x1c6: {  	[sflag:s5] =	ssyncset.done $0x0  }
0x1c7: {  	s10 =	simm.s32 $0x8280;
	[sflag:s5] =	ssyncadd.s32 $0xFFFFF800  }
0x1c8: {  	[spmem:s2] =	stream.indirect.scatter.add.f32 [tilespmem:s15], [sflag:$0x6], $0x10, s10, s14, $0xb8;
	[tilespmem:$0x9400] =	vst v63  }
0x1c9: {  	_ =	swait.ge [sflag:s7], $0x800  }
0x1ca: {  	[sflag:s7] =	ssyncset.done $0x0  }
0x1cb: {  	s6 =	simm.s32 $0x8300;
	[sflag:s7] =	ssyncadd.s32 $0xFFFFF800  }
0x1cc: {  	[spmem:s2] =	stream.indirect.scatter.add.f32 [tilespmem:s15], [sflag:$0x7], $0x10, s6, s14, $0xb8;
	[tilespmem:$0x9400] =	vst v63  }
0x1cd: {  	_ =	swait.ge [sflag:s9], $0x800  }
0x1ce: {  	[sflag:s9] =	ssyncset.done $0x0  }
0x1cf: {  	s8 =	simm.s32 $0x8380;
	[sflag:s9] =	ssyncadd.s32 $0xFFFFF800  }
0x1d0: {  	[spmem:s2] =	stream.indirect.scatter.add.f32 [tilespmem:s15], [sflag:$0x8], $0x10, s8, s14, $0xb8;
	[tilespmem:$0x9400] =	vst v63  }
0x1d1: {  	_ =	swait.ge [sflag:s4], $0x800  }
0x1d2: {  	[sflag:s4] =	ssyncset.done $0x0  }
0x1d3: {  	s10 =	simm.s32 $0x8400;
	[sflag:s4] =	ssyncadd.s32 $0xFFFFF800  }
0x1d4: {  	[spmem:s2] =	stream.indirect.scatter.add.f32 [tilespmem:s15], [sflag:$0x1], $0x10, s10, s14, $0xb8;
	[tilespmem:$0x9400] =	vst v63  }
0x1d5: {  	_ =	swait.ge [sflag:s25], $0x800  }
0x1d6: {  	[sflag:s25] =	ssyncset.done $0x0  }
0x1d7: {  	s6 =	simm.s32 $0x8480;
	[sflag:s25] =	ssyncadd.s32 $0xFFFFF800  }
0x1d8: {  	[spmem:s2] =	stream.indirect.scatter.add.f32 [tilespmem:s15], [sflag:$0x2], $0x10, s6, s14, $0xb8;
	[tilespmem:$0x9400] =	vst v63  }
0x1d9: {  	_ =	swait.ge [sflag:s28], $0x800  }
0x1da: {  	[sflag:s28] =	ssyncset.done $0x0  }
0x1db: {  	s8 =	simm.s32 $0x8500;
	[sflag:s28] =	ssyncadd.s32 $0xFFFFF800  }
0x1dc: {  	[spmem:s2] =	stream.indirect.scatter.add.f32 [tilespmem:s15], [sflag:$0x3], $0x10, s8, s14, $0xb8;
	[tilespmem:$0x9400] =	vst v63  }
0x1dd: {  	_ =	swait.ge [sflag:s30], $0x800  }
0x1de: {  	[sflag:s30] =	ssyncset.done $0x0  }
0x1df: {  	s10 =	simm.s32 $0x8580;
	[sflag:s30] =	ssyncadd.s32 $0xFFFFF800  }
0x1e0: {  	[spmem:s2] =	stream.indirect.scatter.add.f32 [tilespmem:s15], [sflag:$0x4], $0x10, s10, s14, $0xb8;
	[tilespmem:$0x9400] =	vst v63  }
0x1e1: {  	_ =	swait.ge [sflag:s0], $0x800  }
0x1e2: {  	[sflag:s0] =	ssyncset.done $0x0  }
0x1e3: {  	s6 =	simm.s32 $0x8600;
	[sflag:s0] =	ssyncadd.s32 $0xFFFFF800  }
0x1e4: {  	[spmem:s2] =	stream.indirect.scatter.add.f32 [tilespmem:s15], [sflag:$0x5], $0x10, s6, s14, $0xb8;
	[tilespmem:$0x9400] =	vst v63  }
0x1e5: {  	_ =	swait.ge [sflag:s5], $0x800  }
0x1e6: {  	[sflag:s5] =	ssyncset.done $0x0  }
0x1e7: {  	s8 =	simm.s32 $0x8680;
	[sflag:s5] =	ssyncadd.s32 $0xFFFFF800  }
0x1e8: {  	[spmem:s2] =	stream.indirect.scatter.add.f32 [tilespmem:s15], [sflag:$0x6], $0x10, s8, s14, $0xb8;
	[tilespmem:$0x9400] =	vst v63  }
0x1e9: {  	_ =	swait.ge [sflag:s7], $0x800  }
0x1ea: {  	[sflag:s7] =	ssyncset.done $0x0  }
0x1eb: {  	s10 =	simm.s32 $0x8700;
	[sflag:s7] =	ssyncadd.s32 $0xFFFFF800  }
0x1ec: {  	[spmem:s2] =	stream.indirect.scatter.add.f32 [tilespmem:s15], [sflag:$0x7], $0x10, s10, s14, $0xb8;
	[tilespmem:$0x9400] =	vst v63  }
0x1ed: {  	_ =	swait.ge [sflag:s9], $0x800  }
0x1ee: {  	[sflag:s9] =	ssyncset.done $0x0  }
0x1ef: {  	s6 =	simm.s32 $0x8780;
	[sflag:s9] =	ssyncadd.s32 $0xFFFFF800  }
0x1f0: {  	[spmem:s2] =	stream.indirect.scatter.add.f32 [tilespmem:s15], [sflag:$0x8], $0x10, s6, s14, $0xb8;
	[tilespmem:$0x9400] =	vst v63  }
0x1f1: {  	_ =	swait.ge [sflag:s4], $0x800  }
0x1f2: {  	[sflag:s4] =	ssyncset.done $0x0  }
0x1f3: {  	s8 =	simm.s32 $0x8800;
	[sflag:s4] =	ssyncadd.s32 $0xFFFFF800  }
0x1f4: {  	[spmem:s2] =	stream.indirect.scatter.add.f32 [tilespmem:s15], [sflag:$0x1], $0x10, s8, s14, $0xb8;
	[tilespmem:$0x9400] =	vst v63  }
0x1f5: {  	_ =	swait.ge [sflag:s25], $0x800  }
0x1f6: {  	[sflag:s25] =	ssyncset.done $0x0  }
0x1f7: {  	s10 =	simm.s32 $0x8880;
	[sflag:s25] =	ssyncadd.s32 $0xFFFFF800  }
0x1f8: {  	[spmem:s2] =	stream.indirect.scatter.add.f32 [tilespmem:s15], [sflag:$0x2], $0x10, s10, s14, $0xb8;
	[tilespmem:$0x9400] =	vst v63  }
0x1f9: {  	_ =	swait.ge [sflag:s28], $0x800  }
0x1fa: {  	[sflag:s28] =	ssyncset.done $0x0  }
0x1fb: {  	s6 =	simm.s32 $0x8900;
	[sflag:s28] =	ssyncadd.s32 $0xFFFFF800  }
0x1fc: {  	[spmem:s2] =	stream.indirect.scatter.add.f32 [tilespmem:s15], [sflag:$0x3], $0x10, s6, s14, $0xb8;
	[tilespmem:$0x9400] =	vst v63  }
0x1fd: {  	_ =	swait.ge [sflag:s30], $0x800  }
0x1fe: {  	[sflag:s30] =	ssyncset.done $0x0  }
0x1ff: {  	s8 =	simm.s32 $0x8980;
	[sflag:s30] =	ssyncadd.s32 $0xFFFFF800  }
0x200: {  	[spmem:s2] =	stream.indirect.scatter.add.f32 [tilespmem:s15], [sflag:$0x4], $0x10, s8, s14, $0xb8;
	[tilespmem:$0x9400] =	vst v63  }
0x201: {  	_ =	swait.ge [sflag:s0], $0x800  }
0x202: {  	[sflag:s0] =	ssyncset.done $0x0  }
0x203: {  	s10 =	simm.s32 $0x8A00;
	[sflag:s0] =	ssyncadd.s32 $0xFFFFF800  }
0x204: {  	[spmem:s2] =	stream.indirect.scatter.add.f32 [tilespmem:s15], [sflag:$0x5], $0x10, s10, s14, $0xb8;
	[tilespmem:$0x9400] =	vst v63  }
0x205: {  	_ =	swait.ge [sflag:s5], $0x800  }
0x206: {  	[sflag:s5] =	ssyncset.done $0x0  }
0x207: {  	s6 =	simm.s32 $0x8A80;
	[sflag:s5] =	ssyncadd.s32 $0xFFFFF800  }
0x208: {  	[spmem:s2] =	stream.indirect.scatter.add.f32 [tilespmem:s15], [sflag:$0x6], $0x10, s6, s14, $0xb8;
	[tilespmem:$0x9400] =	vst v63  }
0x209: {  	_ =	swait.ge [sflag:s7], $0x800  }
0x20a: {  	[sflag:s7] =	ssyncset.done $0x0  }
0x20b: {  	s8 =	simm.s32 $0x8B00;
	[sflag:s7] =	ssyncadd.s32 $0xFFFFF800  }
0x20c: {  	[spmem:s2] =	stream.indirect.scatter.add.f32 [tilespmem:s15], [sflag:$0x7], $0x10, s8, s14, $0xb8;
	[tilespmem:$0x9400] =	vst v63  }
0x20d: {  	_ =	swait.ge [sflag:s9], $0x800  }
0x20e: {  	[sflag:s9] =	ssyncset.done $0x0  }
0x20f: {  	s10 =	simm.s32 $0x8B80;
	[sflag:s9] =	ssyncadd.s32 $0xFFFFF800  }
0x210: {  	[spmem:s2] =	stream.indirect.scatter.add.f32 [tilespmem:s15], [sflag:$0x8], $0x10, s10, s14, $0xb8;
	[tilespmem:$0x9400] =	vst v63  }
0x211: {  	_ =	swait.ge [sflag:s4], $0x800  }
0x212: {  	[sflag:s4] =	ssyncset.done $0x0  }
0x213: {  	[sflag:s4] =	ssyncadd.s32 $0xFFFFF800  }
0x214: {  	_ =	swait.ge [sflag:s25], $0x800  }
0x215: {  	[sflag:s25] =	ssyncset.done $0x0  }
0x216: {  	[sflag:s25] =	ssyncadd.s32 $0xFFFFF800  }
0x217: {  	_ =	swait.ge [sflag:s28], $0x800  }
0x218: {  	[sflag:s28] =	ssyncset.done $0x0  }
0x219: {  	[sflag:s28] =	ssyncadd.s32 $0xFFFFF800  }
0x21a: {  	_ =	swait.ge [sflag:s30], $0x800  }
0x21b: {  	[sflag:s30] =	ssyncset.done $0x0  }
0x21c: {  	[sflag:s30] =	ssyncadd.s32 $0xFFFFF800  }
0x21d: {  	_ =	swait.ge [sflag:s0], $0x800  }
0x21e: {  	[sflag:s0] =	ssyncset.done $0x0  }
0x21f: {  	[sflag:s0] =	ssyncadd.s32 $0xFFFFF800  }
0x220: {  	_ =	swait.ge [sflag:s5], $0x800  }
0x221: {  	[sflag:s5] =	ssyncset.done $0x0  }
0x222: {  	[sflag:s5] =	ssyncadd.s32 $0xFFFFF800  }
0x223: {  	_ =	swait.ge [sflag:s7], $0x800  }
0x224: {  	[sflag:s7] =	ssyncset.done $0x0  }
0x225: {  	[sflag:s7] =	ssyncadd.s32 $0xFFFFF800  }
0x226: {  	_ =	swait.ge [sflag:s9], $0x800  }
0x227: {  	[sflag:s9] =	ssyncset.done $0x0  }
0x228: {  	[sflag:s9] =	ssyncadd.s32 $0xFFFFF800  }
0x229: {  	_ =	swait.ge [sflag:s4], $0x800  }
0x22a: {  	[sflag:s4] =	ssyncset.done $0x0  }
0x22b: {  	[sflag:s4] =	ssyncadd.s32 $0xFFFFF800  }
0x22c: {  	[bflag:$0x0] =	sbarrier.arrive $0xFFFF  }
0x22d: {  	s6 =	rddreg [dreg:$0xc]  }
0x22e: {  	[tilespmem:s15], [sflag:$0x9] =	stream.linear.gather [spmem:s6], $0x800, $0x38;
	[tilespmem:$0x9400] =	vst v63  }
0x22f: {  	_ =	swait.ge [sflag:s12], $0x800  }
0x230: {  	[sflag:s12] =	ssyncset.done $0x0  }
0x231: {  	s8 =	sadd.s32 $0x0, s24;
	[sflag:s12] =	ssyncadd.s32 $0xFFFFF800  }
0x232: {  	[hbm4b:s8+s3] =	stream.linear.scatter [tilespmem:s15], [sflag:$0x9], $0x800, $0x38;
	[tilespmem:$0x9400] =	vst v63  }
0x233: {  	_ =	swait.ge [sflag:s12], $0x800  }
0x234: {  	s31 =	simm.s32 $0x100;
	s10 =	smov.u32 s6;
	[sflag:s12] =	ssyncset.done $0x0  }
.LBB2_4:
0x235: {  	p0 =	sne.s32 s31, $0xE00;
	[sflag:s12] =	ssyncadd.s32 $0xFFFFF800;
	s10 =	sadd.s32 $0x800, s10  }
0x236: {  	[tilespmem:s15], [sflag:$0x9] =	stream.linear.gather [spmem:s10], $0x800, $0x38;
	[tilespmem:$0x9400] =	vst v63  }
0x237: {  	s6 =	smov.u32 s31;
	s31 =	sadd.s32 $0x100, s31;
	_ =	swait.ge [sflag:s12], $0x800  }
.Ltmp1:
0x238: {  	[sflag:s12] =	ssyncset.done $0x0;
	(pc) =	sbr.rel @p0 .LBB2_4-.Ltmp1, $4  }
0x239: {  	s6 =	sadd.s32 s6, s24;
	[sflag:s12] =	ssyncadd.s32 $0xFFFFF800  }
0x23a: {  	[hbm4b:s6+s3] =	stream.linear.scatter [tilespmem:s15], [sflag:$0x9], $0x800, $0x38;
	[tilespmem:$0x9400] =	vst v63  }
0x23b: {  	_ =	swait.ge [sflag:s12], $0x800  }
0x23c: {  	[sflag:s12] =	ssyncset.done $0x0  }
0x23d: {  	s29 =	sadd.s32 $0x1, s29;
	s6 =	rddreg [dreg:$0xa]  }
0x23e: {  	p0 =	sne.s32 s29, s6  }
.Ltmp2:
0x23f: {  	_ = 	snop;
	(pc) =	sbr.rel @p0 .LBB2_1-.Ltmp2, $2  }
0x240: {  	_ =	sdelay $0x2  }
0x241: {  	[sflag:s12] =	ssyncadd.s32 $0xFFFFF800  }
0x242: {  	_ =	sfence.sel $0x180000  }
0x243: {  	[bflag:$0x0] =	sbarrier.arrive $0xFFFF  }
0x244: {  	_ =	strace $0x90000047  }
0x245: {  	s0 =	stileid.u32;
	[bflag:$0x2] =	sbarrier.arrive $0xFFFF  }
0x246: {  	p0 =	sne.s32 s0, $0x0;
	s0 =	rddreg [dreg:$0x4]  }
0x247: {  	s0 =	sadd.s32 @!p0 $0x100000, s0  }
0x248: {  	[sflag:s0] =	ssyncadd.tile.s32 @!p0 $0x1;
	_ =	shalt  }
.Lfunc_end2:
_tile_overlayer_lowered:
.L_overlay_start_2:
0x249: {  	(tag) =	ssettag $0x2  }
0x24a: {  	s0 =	rddreg [dreg:$0x0];
	s2 =	stileid.u32  }
0x24b: {  	s1 =	rddreg [dreg:$0x1];
	p0 =	sne.s32 s2, $0x0  }
0x24c: {  	s3 =	rddreg [dreg:$0x2];
	[bflag:$0x3] =	sbarrier.arrive $0xFFFF;
	s2 =	simm.s32 @!p0 $0x1C09  }
0x24d: {  	[timem:s3], [sflag:s2] =	dma.local @!p0 [hbm:s0], s1  }
0x24e: {  	s0 =	simm.s32 @!p0 $0x9  }
0x24f: {  	_ =	swait.ge @!p0 [sflag:s0], s1  }
0x250: {  	s1 =	ssub.s32 @!p0 $0x0, s1;
	[sflag:s0] =	ssyncset.done @!p0 $0x0  }
0x251: {  	[sflag:s0] =	ssyncadd.s32 @!p0 s1  }
0x252: {  	[bflag:$0x3] =	sbarrier.arrive $0xFFFF  }
0x253: {  	_ =	shalt  }

</sc_bundles>
